<compile_context>
chip_gen: v7x
topology: tpu7x:2x2x1
jax: 0.10.2.dev20260603
libtpu: 0.0.44.dev20260713+nightly
codegen_flags: <defaults>
</compile_context>

<pallas_src>
import dataclasses
import functools

import jax
import jax.numpy as jnp
from jax import lax
from jax.experimental import pallas as pl
from jax.experimental.pallas import tpu as pltpu
from jax.experimental.pallas import tpu_sc as plsc

NUM_HEADS = 16
NUM_BINS = 32
MAX_DIST = 1000000.0
T = 2048
BI = 128


def _bins_body(pos_q_ref, pos_k_ref, out_ref):
    q = pos_q_ref[0, :]
    k = pos_k_ref[0, :]
    d = jnp.abs(q[:, None] - k[None, :])
    d = jnp.clip(d, 0.0, MAX_DIST)
    d = jnp.log1p(d)
    dmax = jnp.log1p(jnp.float32(MAX_DIST))
    out_ref[...] = (d / dmax * (NUM_BINS - 1)).astype(jnp.int32)


def _tc_bins(pos):
    return pl.pallas_call(
        _bins_body,
        grid=(T // BI,),
        in_specs=[
            pl.BlockSpec((1, BI), lambda i: (0, i)),
            pl.BlockSpec((1, T), lambda i: (0, 0)),
        ],
        out_specs=pl.BlockSpec((BI, T), lambda i: (i, 0)),
        out_shape=jax.ShapeDtypeStruct((T, T), jnp.int32),
        compiler_params=pltpu.CompilerParams(
            dimension_semantics=("parallel",),
        ),
    )(pos, pos)


def _sc_gather(bins, ptab):
    info = plsc.get_sparse_core_info()
    nc, ns = info.num_cores, info.num_subcores
    nw = nc * ns
    rows_per_w = T // nw
    mesh = plsc.VectorSubcoreMesh(core_axis_name="c", subcore_axis_name="s")
    cp = pltpu.CompilerParams()
    if "needs_layout_passes" in pltpu.CompilerParams.__dataclass_fields__:
        cp = dataclasses.replace(cp, needs_layout_passes=False)

    @functools.partial(
        pl.kernel,
        mesh=mesh,
        compiler_params=cp,
        out_type=jax.ShapeDtypeStruct((NUM_HEADS, T, T), jnp.float32),
        scratch_types=[
            pltpu.VMEM((NUM_HEADS // 2, NUM_BINS), jnp.int32),
            pltpu.VMEM((T,), jnp.int32),
            pltpu.VMEM((NUM_HEADS, T), jnp.float32),
        ],
    )
    def k(bins_hbm, ptab_hbm, out_hbm, tab_v, idx_v, stage_v):
        wid = lax.axis_index("s") * nc + lax.axis_index("c")
        base = wid * rows_per_w
        pltpu.sync_copy(ptab_hbm, tab_v)

        def do_row(r, _):
            row = base + r
            pltpu.sync_copy(bins_hbm.at[row], idx_v)

            def do_vec(v, __):
                bvec = idx_v[pl.ds(v * 16, 16)]
                for p in range(NUM_HEADS // 2):
                    g = plsc.load_gather(tab_v.at[p], [bvec])
                    lo = plsc.bitcast(g << 16, jnp.float32)
                    hi = plsc.bitcast(g & jnp.int32(-65536), jnp.float32)
                    stage_v[2 * p, pl.ds(v * 16, 16)] = lo
                    stage_v[2 * p + 1, pl.ds(v * 16, 16)] = hi
                return __

            lax.fori_loop(0, T // 16, do_vec, 0)
            for h in range(NUM_HEADS):
                pltpu.sync_copy(stage_v.at[h], out_hbm.at[h, row])
            return _

        lax.fori_loop(0, rows_per_w, do_row, 0)

    return k(bins, ptab)


@jax.jit
def kernel(pos, bias):
    b16 = jax.lax.bitcast_convert_type(bias.astype(jnp.bfloat16),
                                       jnp.uint16).astype(jnp.uint32)
    ptab = (b16[0::2, :] | (b16[1::2, :] << 16)).astype(jnp.int32)
    bins = _tc_bins(pos)
    out = _sc_gather(bins, ptab)
    return out.reshape(1, NUM_HEADS, T, T)

# --- scband reference (transcript-rebuilt; emitter-appended) ---
"""Pipeline reference for scband-genomic-rel-pos-bias-16630113370907 (READ-ONLY COPY).

The authoritative reference and input builder live on the scoring server;
editing this copy changes nothing except your own understanding.
"""

import jax, jax.numpy as jnp
import numpy as np

NUM_HEADS = 16
NUM_BINS = 32
MAX_DIST = 1000000.0


def setup_inputs(seed: int = 0) -> dict:
    key = jax.random.key(seed)
    k1, k2 = jax.random.split(key)
    # token positions in basepairs (ATAC peak midpoints)
    pos = jax.random.uniform(k1, (1, 2048), dtype=jnp.float32) * MAX_DIST
    # learned bias table (H, num_bins)
    bias = jax.random.normal(k2, (NUM_HEADS, NUM_BINS), dtype=jnp.float32) * 0.02
    return {"pos": pos, "bias": bias}


def reference(pos, bias):
    # pairwise absolute distances (B, T, T)
    dist = jnp.abs(pos[:, :, None] - pos[:, None, :])
    # log1p-compressed binning
    d = jnp.clip(dist, 0.0, MAX_DIST)
    d = jnp.log1p(d)
    dmax = jnp.log1p(jnp.float32(MAX_DIST))
    bins = (d / dmax * (NUM_BINS - 1)).astype(jnp.int32)  # (B, T, T)
    # gather: bias[:, bins] -> (H, B, T, T)
    out = jnp.take(bias, bins, axis=1)
    # permute to (B, H, T, T)
    return jnp.transpose(out, (1, 0, 2, 3))

if __name__ == "__main__":
    import jax
    _d = setup_inputs()
    print(jax.jit(kernel)(*tuple(_d.values())))

</pallas_src>

<mosaic_0001>
#map = affine_map<(d0, d1) -> (0, 0)>
#map1 = affine_map<(d0, d1) -> (0, 0, 0)>
module attributes {stable_mosaic.version = 14 : i64} {
  func.func @k(%arg0: i32, %arg1: i32, %arg2: memref<2048x2048xi32, #tpu.memory_space<hbm>>, %arg3: memref<8x32xi32, #tpu.memory_space<hbm>>, %arg4: memref<16x2048x2048xf32, #tpu.memory_space<hbm>>, %arg5: memref<8x32xi32, #tpu.memory_space<vmem>>, %arg6: memref<2048xi32, #tpu.memory_space<vmem>>, %arg7: memref<16x2048xf32, #tpu.memory_space<vmem>>) attributes {dimension_semantics = [#tpu.dimension_semantics<core_parallel>, #tpu.dimension_semantics<subcore_parallel>], iteration_bounds = array<i64: 2, 16>, scalar_prefetch = 0 : i64, scratch_operands = 3 : i64, tpu.core_type = #tpu.core_type<sc_vector_subcore>, window_params = [{transform_indices = #map}, {transform_indices = #map}, {transform_indices = #map1}]} {
    %mul3A = arith.constant 2 : i32
    %mul3A_0 = arith.muli %arg1, %mul3A : i32
    %add3A = arith.addi %mul3A_0, %arg0 : i32
    %mul3A_1 = arith.constant 64 : i32
    %mul3A_2 = arith.muli %add3A, %mul3A_1 : i32
    "tpu.region"() ({
      %run_scoped3A = tpu.sem_alloc : memref<!tpu.dma_semaphore, #tpu.memory_space<semaphore_mem>>
      tpu.enqueue_dma source(%arg3 : memref<8x32xi32, #tpu.memory_space<hbm>>) target(%arg5 : memref<8x32xi32, #tpu.memory_space<vmem>>) target_semaphore(%run_scoped3A : memref<!tpu.dma_semaphore, #tpu.memory_space<semaphore_mem>>)
      tpu.wait_dma2 semaphore(%run_scoped3A : memref<!tpu.dma_semaphore, #tpu.memory_space<semaphore_mem>>) src(%arg3 : memref<8x32xi32, #tpu.memory_space<hbm>>) dst(%arg5 : memref<8x32xi32, #tpu.memory_space<vmem>>)
      tpu.yield
    }) : () -> ()
    %scan3A = arith.constant 0 : i32
    %scan3A_3 = arith.constant 0 : i32
    %scan3A_4 = arith.constant 64 : i32
    %scan3A_5 = arith.addi %scan3A_3, %scan3A_4 : i32
    %scan3A_6 = arith.constant 1 : i32
    scf.for %scan3A_8 = %scan3A_3 to %scan3A_5 step %scan3A_6  : i32 {
      %add3A_9 = arith.addi %mul3A_2, %scan3A_8 : i32
      "tpu.region"() ({
        %run_scoped3A_47 = tpu.sem_alloc : memref<!tpu.dma_semaphore, #tpu.memory_space<semaphore_mem>>
        %dma_start3A = arith.constant 0 : i32
        %dma_start3A_48 = tpu.memref_slice %arg2[%add3A_9, %dma_start3A] : memref<2048x2048xi32, #tpu.memory_space<hbm>> -> memref<1x2048xi32, #tpu.memory_space<hbm>>
        %dma_start3A_49 = tpu.memref_squeeze %dma_start3A_48 : memref<1x2048xi32, #tpu.memory_space<hbm>> -> memref<2048xi32, #tpu.memory_space<hbm>>
        %dma_start3A_50 = arith.constant 0 : i32
        %dma_start3A_51 = tpu.memref_slice %arg2[%add3A_9, %dma_start3A_50] : memref<2048x2048xi32, #tpu.memory_space<hbm>> -> memref<1x2048xi32, #tpu.memory_space<hbm>>
        %dma_start3A_52 = tpu.memref_squeeze %dma_start3A_51 : memref<1x2048xi32, #tpu.memory_space<hbm>> -> memref<2048xi32, #tpu.memory_space<hbm>>
        tpu.enqueue_dma source(%dma_start3A_52 : memref<2048xi32, #tpu.memory_space<hbm>>) target(%arg6 : memref<2048xi32, #tpu.memory_space<vmem>>) target_semaphore(%run_scoped3A_47 : memref<!tpu.dma_semaphore, #tpu.memory_space<semaphore_mem>>)
        %dma_wait3A = arith.constant 0 : i32
        %dma_wait3A_53 = tpu.memref_slice %arg2[%add3A_9, %dma_wait3A] : memref<2048x2048xi32, #tpu.memory_space<hbm>> -> memref<1x2048xi32, #tpu.memory_space<hbm>>
        %dma_wait3A_54 = tpu.memref_squeeze %dma_wait3A_53 : memref<1x2048xi32, #tpu.memory_space<hbm>> -> memref<2048xi32, #tpu.memory_space<hbm>>
        %dma_wait3A_55 = arith.constant 0 : i32
        %dma_wait3A_56 = tpu.memref_slice %arg2[%add3A_9, %dma_wait3A_55] : memref<2048x2048xi32, #tpu.memory_space<hbm>> -> memref<1x2048xi32, #tpu.memory_space<hbm>>
        %dma_wait3A_57 = tpu.memref_squeeze %dma_wait3A_56 : memref<1x2048xi32, #tpu.memory_space<hbm>> -> memref<2048xi32, #tpu.memory_space<hbm>>
        tpu.wait_dma2 semaphore(%run_scoped3A_47 : memref<!tpu.dma_semaphore, #tpu.memory_space<semaphore_mem>>) src(%dma_wait3A_57 : memref<2048xi32, #tpu.memory_space<hbm>>) dst(%arg6 : memref<2048xi32, #tpu.memory_space<vmem>>)
        tpu.yield
      }) : () -> ()
      %scan3A_10 = arith.constant 0 : i32
      %scan3A_11 = arith.constant 0 : i32
      %scan3A_12 = arith.constant 128 : i32
      %scan3A_13 = arith.addi %scan3A_11, %scan3A_12 : i32
      %scan3A_14 = arith.constant 1 : i32
      scf.for %scan3A_47 = %scan3A_11 to %scan3A_13 step %scan3A_14  : i32 {
        %mul3A_48 = arith.constant 16 : i32
        %mul3A_49 = arith.muli %scan3A_47, %mul3A_48 : i32
        %get3A = arith.index_cast %mul3A_49 : i32 to index
        %get3A_50 = tpu.vector_load %arg6[%get3A] {strides = array<i32>} : memref<2048xi32, #tpu.memory_space<vmem>>, vector<16xi32>,
        %gather3A = arith.constant 0 : i32
        %gather3A_51 = arith.constant 0 : i32
        %gather3A_52 = tpu.memref_slice %arg5[%gather3A, %gather3A_51] : memref<8x32xi32, #tpu.memory_space<vmem>> -> memref<1x32xi32, #tpu.memory_space<vmem>>
        %gather3A_53 = tpu.memref_squeeze %gather3A_52 : memref<1x32xi32, #tpu.memory_space<vmem>> -> memref<32xi32, #tpu.memory_space<vmem>>
        %gather3A_54 = tpu.vector_load_idx %gather3A_53[%get3A_50] : memref<32xi32, #tpu.memory_space<vmem>>[vector<16xi32>], vector<16xi32>,
        %shift_left3A = arith.constant 16 : i32
        %shift_left3A_55 = vector.broadcast %shift_left3A : i32 to vector<16xi32>
        %shift_left3A_56 = arith.shli %gather3A_54, %shift_left3A_55 : vector<16xi32>
        %bitcast3A = vector.bitcast %shift_left3A_56 : vector<16xi32> to vector<16xf32>
        %and3A = arith.constant -65536 : i32
        %and3A_57 = vector.broadcast %and3A : i32 to vector<16xi32>
        %and3A_58 = arith.andi %gather3A_54, %and3A_57 : vector<16xi32>
        %bitcast3A_59 = vector.bitcast %and3A_58 : vector<16xi32> to vector<16xf32>
        %mul3A_60 = arith.constant 16 : i32
        %mul3A_61 = arith.muli %scan3A_47, %mul3A_60 : i32
        %swap3A = arith.constant 0 : i32
        %swap3A_62 = arith.index_cast %swap3A : i32 to index
        %swap3A_63 = arith.index_cast %mul3A_61 : i32 to index
        %swap3A_64 = tpu.vector_load %arg7[%swap3A_62, %swap3A_63] {strides = array<i32>} : memref<16x2048xf32, #tpu.memory_space<vmem>>, vector<16xf32>,
        tpu.vector_store %arg7[%swap3A_62, %swap3A_63], %bitcast3A {strides = array<i32>} : memref<16x2048xf32, #tpu.memory_space<vmem>>, vector<16xf32>,
        %mul3A_65 = arith.constant 16 : i32
        %mul3A_66 = arith.muli %scan3A_47, %mul3A_65 : i32
        %swap3A_67 = arith.constant 1 : i32
        %swap3A_68 = arith.index_cast %swap3A_67 : i32 to index
        %swap3A_69 = arith.index_cast %mul3A_66 : i32 to index
        %swap3A_70 = tpu.vector_load %arg7[%swap3A_68, %swap3A_69] {strides = array<i32>} : memref<16x2048xf32, #tpu.memory_space<vmem>>, vector<16xf32>,
        tpu.vector_store %arg7[%swap3A_68, %swap3A_69], %bitcast3A_59 {strides = array<i32>} : memref<16x2048xf32, #tpu.memory_space<vmem>>, vector<16xf32>,
        %gather3A_71 = arith.constant 1 : i32
        %gather3A_72 = arith.constant 0 : i32
        %gather3A_73 = tpu.memref_slice %arg5[%gather3A_71, %gather3A_72] : memref<8x32xi32, #tpu.memory_space<vmem>> -> memref<1x32xi32, #tpu.memory_space<vmem>>
        %gather3A_74 = tpu.memref_squeeze %gather3A_73 : memref<1x32xi32, #tpu.memory_space<vmem>> -> memref<32xi32, #tpu.memory_space<vmem>>
        %gather3A_75 = tpu.vector_load_idx %gather3A_74[%get3A_50] : memref<32xi32, #tpu.memory_space<vmem>>[vector<16xi32>], vector<16xi32>,
        %shift_left3A_76 = arith.constant 16 : i32
        %shift_left3A_77 = vector.broadcast %shift_left3A_76 : i32 to vector<16xi32>
        %shift_left3A_78 = arith.shli %gather3A_75, %shift_left3A_77 : vector<16xi32>
        %bitcast3A_79 = vector.bitcast %shift_left3A_78 : vector<16xi32> to vector<16xf32>
        %and3A_80 = arith.constant -65536 : i32
        %and3A_81 = vector.broadcast %and3A_80 : i32 to vector<16xi32>
        %and3A_82 = arith.andi %gather3A_75, %and3A_81 : vector<16xi32>
        %bitcast3A_83 = vector.bitcast %and3A_82 : vector<16xi32> to vector<16xf32>
        %mul3A_84 = arith.constant 16 : i32
        %mul3A_85 = arith.muli %scan3A_47, %mul3A_84 : i32
        %swap3A_86 = arith.constant 2 : i32
        %swap3A_87 = arith.index_cast %swap3A_86 : i32 to index
        %swap3A_88 = arith.index_cast %mul3A_85 : i32 to index
        %swap3A_89 = tpu.vector_load %arg7[%swap3A_87, %swap3A_88] {strides = array<i32>} : memref<16x2048xf32, #tpu.memory_space<vmem>>, vector<16xf32>,
        tpu.vector_store %arg7[%swap3A_87, %swap3A_88], %bitcast3A_79 {strides = array<i32>} : memref<16x2048xf32, #tpu.memory_space<vmem>>, vector<16xf32>,
        %mul3A_90 = arith.constant 16 : i32
        %mul3A_91 = arith.muli %scan3A_47, %mul3A_90 : i32
        %swap3A_92 = arith.constant 3 : i32
        %swap3A_93 = arith.index_cast %swap3A_92 : i32 to index
        %swap3A_94 = arith.index_cast %mul3A_91 : i32 to index
        %swap3A_95 = tpu.vector_load %arg7[%swap3A_93, %swap3A_94] {strides = array<i32>} : memref<16x2048xf32, #tpu.memory_space<vmem>>, vector<16xf32>,
        tpu.vector_store %arg7[%swap3A_93, %swap3A_94], %bitcast3A_83 {strides = array<i32>} : memref<16x2048xf32, #tpu.memory_space<vmem>>, vector<16xf32>,
        %gather3A_96 = arith.constant 2 : i32
        %gather3A_97 = arith.constant 0 : i32
        %gather3A_98 = tpu.memref_slice %arg5[%gather3A_96, %gather3A_97] : memref<8x32xi32, #tpu.memory_space<vmem>> -> memref<1x32xi32, #tpu.memory_space<vmem>>
        %gather3A_99 = tpu.memref_squeeze %gather3A_98 : memref<1x32xi32, #tpu.memory_space<vmem>> -> memref<32xi32, #tpu.memory_space<vmem>>
        %gather3A_100 = tpu.vector_load_idx %gather3A_99[%get3A_50] : memref<32xi32, #tpu.memory_space<vmem>>[vector<16xi32>], vector<16xi32>,
        %shift_left3A_101 = arith.constant 16 : i32
        %shift_left3A_102 = vector.broadcast %shift_left3A_101 : i32 to vector<16xi32>
        %shift_left3A_103 = arith.shli %gather3A_100, %shift_left3A_102 : vector<16xi32>
        %bitcast3A_104 = vector.bitcast %shift_left3A_103 : vector<16xi32> to vector<16xf32>
        %and3A_105 = arith.constant -65536 : i32
        %and3A_106 = vector.broadcast %and3A_105 : i32 to vector<16xi32>
        %and3A_107 = arith.andi %gather3A_100, %and3A_106 : vector<16xi32>
        %bitcast3A_108 = vector.bitcast %and3A_107 : vector<16xi32> to vector<16xf32>
        %mul3A_109 = arith.constant 16 : i32
        %mul3A_110 = arith.muli %scan3A_47, %mul3A_109 : i32
        %swap3A_111 = arith.constant 4 : i32
        %swap3A_112 = arith.index_cast %swap3A_111 : i32 to index
        %swap3A_113 = arith.index_cast %mul3A_110 : i32 to index
        %swap3A_114 = tpu.vector_load %arg7[%swap3A_112, %swap3A_113] {strides = array<i32>} : memref<16x2048xf32, #tpu.memory_space<vmem>>, vector<16xf32>,
        tpu.vector_store %arg7[%swap3A_112, %swap3A_113], %bitcast3A_104 {strides = array<i32>} : memref<16x2048xf32, #tpu.memory_space<vmem>>, vector<16xf32>,
        %mul3A_115 = arith.constant 16 : i32
        %mul3A_116 = arith.muli %scan3A_47, %mul3A_115 : i32
        %swap3A_117 = arith.constant 5 : i32
        %swap3A_118 = arith.index_cast %swap3A_117 : i32 to index
        %swap3A_119 = arith.index_cast %mul3A_116 : i32 to index
        %swap3A_120 = tpu.vector_load %arg7[%swap3A_118, %swap3A_119] {strides = array<i32>} : memref<16x2048xf32, #tpu.memory_space<vmem>>, vector<16xf32>,
        tpu.vector_store %arg7[%swap3A_118, %swap3A_119], %bitcast3A_108 {strides = array<i32>} : memref<16x2048xf32, #tpu.memory_space<vmem>>, vector<16xf32>,
        %gather3A_121 = arith.constant 3 : i32
        %gather3A_122 = arith.constant 0 : i32
        %gather3A_123 = tpu.memref_slice %arg5[%gather3A_121, %gather3A_122] : memref<8x32xi32, #tpu.memory_space<vmem>> -> memref<1x32xi32, #tpu.memory_space<vmem>>
        %gather3A_124 = tpu.memref_squeeze %gather3A_123 : memref<1x32xi32, #tpu.memory_space<vmem>> -> memref<32xi32, #tpu.memory_space<vmem>>
        %gather3A_125 = tpu.vector_load_idx %gather3A_124[%get3A_50] : memref<32xi32, #tpu.memory_space<vmem>>[vector<16xi32>], vector<16xi32>,
        %shift_left3A_126 = arith.constant 16 : i32
        %shift_left3A_127 = vector.broadcast %shift_left3A_126 : i32 to vector<16xi32>
        %shift_left3A_128 = arith.shli %gather3A_125, %shift_left3A_127 : vector<16xi32>
        %bitcast3A_129 = vector.bitcast %shift_left3A_128 : vector<16xi32> to vector<16xf32>
        %and3A_130 = arith.constant -65536 : i32
        %and3A_131 = vector.broadcast %and3A_130 : i32 to vector<16xi32>
        %and3A_132 = arith.andi %gather3A_125, %and3A_131 : vector<16xi32>
        %bitcast3A_133 = vector.bitcast %and3A_132 : vector<16xi32> to vector<16xf32>
        %mul3A_134 = arith.constant 16 : i32
        %mul3A_135 = arith.muli %scan3A_47, %mul3A_134 : i32
        %swap3A_136 = arith.constant 6 : i32
        %swap3A_137 = arith.index_cast %swap3A_136 : i32 to index
        %swap3A_138 = arith.index_cast %mul3A_135 : i32 to index
        %swap3A_139 = tpu.vector_load %arg7[%swap3A_137, %swap3A_138] {strides = array<i32>} : memref<16x2048xf32, #tpu.memory_space<vmem>>, vector<16xf32>,
        tpu.vector_store %arg7[%swap3A_137, %swap3A_138], %bitcast3A_129 {strides = array<i32>} : memref<16x2048xf32, #tpu.memory_space<vmem>>, vector<16xf32>,
        %mul3A_140 = arith.constant 16 : i32
        %mul3A_141 = arith.muli %scan3A_47, %mul3A_140 : i32
        %swap3A_142 = arith.constant 7 : i32
        %swap3A_143 = arith.index_cast %swap3A_142 : i32 to index
        %swap3A_144 = arith.index_cast %mul3A_141 : i32 to index
        %swap3A_145 = tpu.vector_load %arg7[%swap3A_143, %swap3A_144] {strides = array<i32>} : memref<16x2048xf32, #tpu.memory_space<vmem>>, vector<16xf32>,
        tpu.vector_store %arg7[%swap3A_143, %swap3A_144], %bitcast3A_133 {strides = array<i32>} : memref<16x2048xf32, #tpu.memory_space<vmem>>, vector<16xf32>,
        %gather3A_146 = arith.constant 4 : i32
        %gather3A_147 = arith.constant 0 : i32
        %gather3A_148 = tpu.memref_slice %arg5[%gather3A_146, %gather3A_147] : memref<8x32xi32, #tpu.memory_space<vmem>> -> memref<1x32xi32, #tpu.memory_space<vmem>>
        %gather3A_149 = tpu.memref_squeeze %gather3A_148 : memref<1x32xi32, #tpu.memory_space<vmem>> -> memref<32xi32, #tpu.memory_space<vmem>>
        %gather3A_150 = tpu.vector_load_idx %gather3A_149[%get3A_50] : memref<32xi32, #tpu.memory_space<vmem>>[vector<16xi32>], vector<16xi32>,
        %shift_left3A_151 = arith.constant 16 : i32
        %shift_left3A_152 = vector.broadcast %shift_left3A_151 : i32 to vector<16xi32>
        %shift_left3A_153 = arith.shli %gather3A_150, %shift_left3A_152 : vector<16xi32>
        %bitcast3A_154 = vector.bitcast %shift_left3A_153 : vector<16xi32> to vector<16xf32>
        %and3A_155 = arith.constant -65536 : i32
        %and3A_156 = vector.broadcast %and3A_155 : i32 to vector<16xi32>
        %and3A_157 = arith.andi %gather3A_150, %and3A_156 : vector<16xi32>
        %bitcast3A_158 = vector.bitcast %and3A_157 : vector<16xi32> to vector<16xf32>
        %mul3A_159 = arith.constant 16 : i32
        %mul3A_160 = arith.muli %scan3A_47, %mul3A_159 : i32
        %swap3A_161 = arith.constant 8 : i32
        %swap3A_162 = arith.index_cast %swap3A_161 : i32 to index
        %swap3A_163 = arith.index_cast %mul3A_160 : i32 to index
        %swap3A_164 = tpu.vector_load %arg7[%swap3A_162, %swap3A_163] {strides = array<i32>} : memref<16x2048xf32, #tpu.memory_space<vmem>>, vector<16xf32>,
        tpu.vector_store %arg7[%swap3A_162, %swap3A_163], %bitcast3A_154 {strides = array<i32>} : memref<16x2048xf32, #tpu.memory_space<vmem>>, vector<16xf32>,
        %mul3A_165 = arith.constant 16 : i32
        %mul3A_166 = arith.muli %scan3A_47, %mul3A_165 : i32
        %swap3A_167 = arith.constant 9 : i32
        %swap3A_168 = arith.index_cast %swap3A_167 : i32 to index
        %swap3A_169 = arith.index_cast %mul3A_166 : i32 to index
        %swap3A_170 = tpu.vector_load %arg7[%swap3A_168, %swap3A_169] {strides = array<i32>} : memref<16x2048xf32, #tpu.memory_space<vmem>>, vector<16xf32>,
        tpu.vector_store %arg7[%swap3A_168, %swap3A_169], %bitcast3A_158 {strides = array<i32>} : memref<16x2048xf32, #tpu.memory_space<vmem>>, vector<16xf32>,
        %gather3A_171 = arith.constant 5 : i32
        %gather3A_172 = arith.constant 0 : i32
        %gather3A_173 = tpu.memref_slice %arg5[%gather3A_171, %gather3A_172] : memref<8x32xi32, #tpu.memory_space<vmem>> -> memref<1x32xi32, #tpu.memory_space<vmem>>
        %gather3A_174 = tpu.memref_squeeze %gather3A_173 : memref<1x32xi32, #tpu.memory_space<vmem>> -> memref<32xi32, #tpu.memory_space<vmem>>
        %gather3A_175 = tpu.vector_load_idx %gather3A_174[%get3A_50] : memref<32xi32, #tpu.memory_space<vmem>>[vector<16xi32>], vector<16xi32>,
        %shift_left3A_176 = arith.constant 16 : i32
        %shift_left3A_177 = vector.broadcast %shift_left3A_176 : i32 to vector<16xi32>
        %shift_left3A_178 = arith.shli %gather3A_175, %shift_left3A_177 : vector<16xi32>
        %bitcast3A_179 = vector.bitcast %shift_left3A_178 : vector<16xi32> to vector<16xf32>
        %and3A_180 = arith.constant -65536 : i32
        %and3A_181 = vector.broadcast %and3A_180 : i32 to vector<16xi32>
        %and3A_182 = arith.andi %gather3A_175, %and3A_181 : vector<16xi32>
        %bitcast3A_183 = vector.bitcast %and3A_182 : vector<16xi32> to vector<16xf32>
        %mul3A_184 = arith.constant 16 : i32
        %mul3A_185 = arith.muli %scan3A_47, %mul3A_184 : i32
        %swap3A_186 = arith.constant 10 : i32
        %swap3A_187 = arith.index_cast %swap3A_186 : i32 to index
        %swap3A_188 = arith.index_cast %mul3A_185 : i32 to index
        %swap3A_189 = tpu.vector_load %arg7[%swap3A_187, %swap3A_188] {strides = array<i32>} : memref<16x2048xf32, #tpu.memory_space<vmem>>, vector<16xf32>,
        tpu.vector_store %arg7[%swap3A_187, %swap3A_188], %bitcast3A_179 {strides = array<i32>} : memref<16x2048xf32, #tpu.memory_space<vmem>>, vector<16xf32>,
        %mul3A_190 = arith.constant 16 : i32
        %mul3A_191 = arith.muli %scan3A_47, %mul3A_190 : i32
        %swap3A_192 = arith.constant 11 : i32
        %swap3A_193 = arith.index_cast %swap3A_192 : i32 to index
        %swap3A_194 = arith.index_cast %mul3A_191 : i32 to index
        %swap3A_195 = tpu.vector_load %arg7[%swap3A_193, %swap3A_194] {strides = array<i32>} : memref<16x2048xf32, #tpu.memory_space<vmem>>, vector<16xf32>,
        tpu.vector_store %arg7[%swap3A_193, %swap3A_194], %bitcast3A_183 {strides = array<i32>} : memref<16x2048xf32, #tpu.memory_space<vmem>>, vector<16xf32>,
        %gather3A_196 = arith.constant 6 : i32
        %gather3A_197 = arith.constant 0 : i32
        %gather3A_198 = tpu.memref_slice %arg5[%gather3A_196, %gather3A_197] : memref<8x32xi32, #tpu.memory_space<vmem>> -> memref<1x32xi32, #tpu.memory_space<vmem>>
        %gather3A_199 = tpu.memref_squeeze %gather3A_198 : memref<1x32xi32, #tpu.memory_space<vmem>> -> memref<32xi32, #tpu.memory_space<vmem>>
        %gather3A_200 = tpu.vector_load_idx %gather3A_199[%get3A_50] : memref<32xi32, #tpu.memory_space<vmem>>[vector<16xi32>], vector<16xi32>,
        %shift_left3A_201 = arith.constant 16 : i32
        %shift_left3A_202 = vector.broadcast %shift_left3A_201 : i32 to vector<16xi32>
        %shift_left3A_203 = arith.shli %gather3A_200, %shift_left3A_202 : vector<16xi32>
        %bitcast3A_204 = vector.bitcast %shift_left3A_203 : vector<16xi32> to vector<16xf32>
        %and3A_205 = arith.constant -65536 : i32
        %and3A_206 = vector.broadcast %and3A_205 : i32 to vector<16xi32>
        %and3A_207 = arith.andi %gather3A_200, %and3A_206 : vector<16xi32>
        %bitcast3A_208 = vector.bitcast %and3A_207 : vector<16xi32> to vector<16xf32>
        %mul3A_209 = arith.constant 16 : i32
        %mul3A_210 = arith.muli %scan3A_47, %mul3A_209 : i32
        %swap3A_211 = arith.constant 12 : i32
        %swap3A_212 = arith.index_cast %swap3A_211 : i32 to index
        %swap3A_213 = arith.index_cast %mul3A_210 : i32 to index
        %swap3A_214 = tpu.vector_load %arg7[%swap3A_212, %swap3A_213] {strides = array<i32>} : memref<16x2048xf32, #tpu.memory_space<vmem>>, vector<16xf32>,
        tpu.vector_store %arg7[%swap3A_212, %swap3A_213], %bitcast3A_204 {strides = array<i32>} : memref<16x2048xf32, #tpu.memory_space<vmem>>, vector<16xf32>,
        %mul3A_215 = arith.constant 16 : i32
        %mul3A_216 = arith.muli %scan3A_47, %mul3A_215 : i32
        %swap3A_217 = arith.constant 13 : i32
        %swap3A_218 = arith.index_cast %swap3A_217 : i32 to index
        %swap3A_219 = arith.index_cast %mul3A_216 : i32 to index
        %swap3A_220 = tpu.vector_load %arg7[%swap3A_218, %swap3A_219] {strides = array<i32>} : memref<16x2048xf32, #tpu.memory_space<vmem>>, vector<16xf32>,
        tpu.vector_store %arg7[%swap3A_218, %swap3A_219], %bitcast3A_208 {strides = array<i32>} : memref<16x2048xf32, #tpu.memory_space<vmem>>, vector<16xf32>,
        %gather3A_221 = arith.constant 7 : i32
        %gather3A_222 = arith.constant 0 : i32
        %gather3A_223 = tpu.memref_slice %arg5[%gather3A_221, %gather3A_222] : memref<8x32xi32, #tpu.memory_space<vmem>> -> memref<1x32xi32, #tpu.memory_space<vmem>>
        %gather3A_224 = tpu.memref_squeeze %gather3A_223 : memref<1x32xi32, #tpu.memory_space<vmem>> -> memref<32xi32, #tpu.memory_space<vmem>>
        %gather3A_225 = tpu.vector_load_idx %gather3A_224[%get3A_50] : memref<32xi32, #tpu.memory_space<vmem>>[vector<16xi32>], vector<16xi32>,
        %shift_left3A_226 = arith.constant 16 : i32
        %shift_left3A_227 = vector.broadcast %shift_left3A_226 : i32 to vector<16xi32>
        %shift_left3A_228 = arith.shli %gather3A_225, %shift_left3A_227 : vector<16xi32>
        %bitcast3A_229 = vector.bitcast %shift_left3A_228 : vector<16xi32> to vector<16xf32>
        %and3A_230 = arith.constant -65536 : i32
        %and3A_231 = vector.broadcast %and3A_230 : i32 to vector<16xi32>
        %and3A_232 = arith.andi %gather3A_225, %and3A_231 : vector<16xi32>
        %bitcast3A_233 = vector.bitcast %and3A_232 : vector<16xi32> to vector<16xf32>
        %mul3A_234 = arith.constant 16 : i32
        %mul3A_235 = arith.muli %scan3A_47, %mul3A_234 : i32
        %swap3A_236 = arith.constant 14 : i32
        %swap3A_237 = arith.index_cast %swap3A_236 : i32 to index
        %swap3A_238 = arith.index_cast %mul3A_235 : i32 to index
        %swap3A_239 = tpu.vector_load %arg7[%swap3A_237, %swap3A_238] {strides = array<i32>} : memref<16x2048xf32, #tpu.memory_space<vmem>>, vector<16xf32>,
        tpu.vector_store %arg7[%swap3A_237, %swap3A_238], %bitcast3A_229 {strides = array<i32>} : memref<16x2048xf32, #tpu.memory_space<vmem>>, vector<16xf32>,
        %mul3A_240 = arith.constant 16 : i32
        %mul3A_241 = arith.muli %scan3A_47, %mul3A_240 : i32
        %swap3A_242 = arith.constant 15 : i32
        %swap3A_243 = arith.index_cast %swap3A_242 : i32 to index
        %swap3A_244 = arith.index_cast %mul3A_241 : i32 to index
        %swap3A_245 = tpu.vector_load %arg7[%swap3A_243, %swap3A_244] {strides = array<i32>} : memref<16x2048xf32, #tpu.memory_space<vmem>>, vector<16xf32>,
        tpu.vector_store %arg7[%swap3A_243, %swap3A_244], %bitcast3A_233 {strides = array<i32>} : memref<16x2048xf32, #tpu.memory_space<vmem>>, vector<16xf32>,
      }
      %scan3A_15 = arith.constant 128 : i32
      %run_scoped3A = arith.constant 0 : i32
      %run_scoped3A_16 = arith.constant 0 : i32
      "tpu.region"() ({
        %run_scoped3A_47 = tpu.sem_alloc : memref<!tpu.dma_semaphore, #tpu.memory_space<semaphore_mem>>
        %dma_start3A = arith.constant 0 : i32
        %dma_start3A_48 = tpu.memref_slice %arg7[%run_scoped3A, %dma_start3A] : memref<16x2048xf32, #tpu.memory_space<vmem>> -> memref<1x2048xf32, #tpu.memory_space<vmem>>
        %dma_start3A_49 = tpu.memref_squeeze %dma_start3A_48 : memref<1x2048xf32, #tpu.memory_space<vmem>> -> memref<2048xf32, #tpu.memory_space<vmem>>
        %dma_start3A_50 = arith.constant 0 : i32
        %dma_start3A_51 = tpu.memref_slice %arg4[%run_scoped3A_16, %add3A_9, %dma_start3A_50] : memref<16x2048x2048xf32, #tpu.memory_space<hbm>> -> memref<1x1x2048xf32, #tpu.memory_space<hbm>>
        %dma_start3A_52 = tpu.memref_squeeze %dma_start3A_51 : memref<1x1x2048xf32, #tpu.memory_space<hbm>> -> memref<2048xf32, #tpu.memory_space<hbm>>
        %dma_start3A_53 = arith.constant 0 : i32
        %dma_start3A_54 = tpu.memref_slice %arg4[%run_scoped3A_16, %add3A_9, %dma_start3A_53] : memref<16x2048x2048xf32, #tpu.memory_space<hbm>> -> memref<1x1x2048xf32, #tpu.memory_space<hbm>>
        %dma_start3A_55 = tpu.memref_squeeze %dma_start3A_54 : memref<1x1x2048xf32, #tpu.memory_space<hbm>> -> memref<2048xf32, #tpu.memory_space<hbm>>
        %dma_start3A_56 = arith.constant 0 : i32
        %dma_start3A_57 = tpu.memref_slice %arg7[%run_scoped3A, %dma_start3A_56] : memref<16x2048xf32, #tpu.memory_space<vmem>> -> memref<1x2048xf32, #tpu.memory_space<vmem>>
        %dma_start3A_58 = tpu.memref_squeeze %dma_start3A_57 : memref<1x2048xf32, #tpu.memory_space<vmem>> -> memref<2048xf32, #tpu.memory_space<vmem>>
        tpu.enqueue_dma source(%dma_start3A_58 : memref<2048xf32, #tpu.memory_space<vmem>>) target(%dma_start3A_55 : memref<2048xf32, #tpu.memory_space<hbm>>) target_semaphore(%run_scoped3A_47 : memref<!tpu.dma_semaphore, #tpu.memory_space<semaphore_mem>>)
        %dma_wait3A = arith.constant 0 : i32
        %dma_wait3A_59 = tpu.memref_slice %arg7[%run_scoped3A, %dma_wait3A] : memref<16x2048xf32, #tpu.memory_space<vmem>> -> memref<1x2048xf32, #tpu.memory_space<vmem>>
        %dma_wait3A_60 = tpu.memref_squeeze %dma_wait3A_59 : memref<1x2048xf32, #tpu.memory_space<vmem>> -> memref<2048xf32, #tpu.memory_space<vmem>>
        %dma_wait3A_61 = arith.constant 0 : i32
        %dma_wait3A_62 = tpu.memref_slice %arg4[%run_scoped3A_16, %add3A_9, %dma_wait3A_61] : memref<16x2048x2048xf32, #tpu.memory_space<hbm>> -> memref<1x1x2048xf32, #tpu.memory_space<hbm>>
        %dma_wait3A_63 = tpu.memref_squeeze %dma_wait3A_62 : memref<1x1x2048xf32, #tpu.memory_space<hbm>> -> memref<2048xf32, #tpu.memory_space<hbm>>
        %dma_wait3A_64 = arith.constant 0 : i32
        %dma_wait3A_65 = tpu.memref_slice %arg4[%run_scoped3A_16, %add3A_9, %dma_wait3A_64] : memref<16x2048x2048xf32, #tpu.memory_space<hbm>> -> memref<1x1x2048xf32, #tpu.memory_space<hbm>>
        %dma_wait3A_66 = tpu.memref_squeeze %dma_wait3A_65 : memref<1x1x2048xf32, #tpu.memory_space<hbm>> -> memref<2048xf32, #tpu.memory_space<hbm>>
        %dma_wait3A_67 = arith.constant 0 : i32
        %dma_wait3A_68 = tpu.memref_slice %arg7[%run_scoped3A, %dma_wait3A_67] : memref<16x2048xf32, #tpu.memory_space<vmem>> -> memref<1x2048xf32, #tpu.memory_space<vmem>>
        %dma_wait3A_69 = tpu.memref_squeeze %dma_wait3A_68 : memref<1x2048xf32, #tpu.memory_space<vmem>> -> memref<2048xf32, #tpu.memory_space<vmem>>
        tpu.wait_dma2 semaphore(%run_scoped3A_47 : memref<!tpu.dma_semaphore, #tpu.memory_space<semaphore_mem>>) src(%dma_wait3A_69 : memref<2048xf32, #tpu.memory_space<vmem>>) dst(%dma_wait3A_66 : memref<2048xf32, #tpu.memory_space<hbm>>)
        tpu.yield
      }) : () -> ()
      %run_scoped3A_17 = arith.constant 1 : i32
      %run_scoped3A_18 = arith.constant 1 : i32
      "tpu.region"() ({
        %run_scoped3A_47 = tpu.sem_alloc : memref<!tpu.dma_semaphore, #tpu.memory_space<semaphore_mem>>
        %dma_start3A = arith.constant 0 : i32
        %dma_start3A_48 = tpu.memref_slice %arg7[%run_scoped3A_17, %dma_start3A] : memref<16x2048xf32, #tpu.memory_space<vmem>> -> memref<1x2048xf32, #tpu.memory_space<vmem>>
        %dma_start3A_49 = tpu.memref_squeeze %dma_start3A_48 : memref<1x2048xf32, #tpu.memory_space<vmem>> -> memref<2048xf32, #tpu.memory_space<vmem>>
        %dma_start3A_50 = arith.constant 0 : i32
        %dma_start3A_51 = tpu.memref_slice %arg4[%run_scoped3A_18, %add3A_9, %dma_start3A_50] : memref<16x2048x2048xf32, #tpu.memory_space<hbm>> -> memref<1x1x2048xf32, #tpu.memory_space<hbm>>
        %dma_start3A_52 = tpu.memref_squeeze %dma_start3A_51 : memref<1x1x2048xf32, #tpu.memory_space<hbm>> -> memref<2048xf32, #tpu.memory_space<hbm>>
        %dma_start3A_53 = arith.constant 0 : i32
        %dma_start3A_54 = tpu.memref_slice %arg4[%run_scoped3A_18, %add3A_9, %dma_start3A_53] : memref<16x2048x2048xf32, #tpu.memory_space<hbm>> -> memref<1x1x2048xf32, #tpu.memory_space<hbm>>
        %dma_start3A_55 = tpu.memref_squeeze %dma_start3A_54 : memref<1x1x2048xf32, #tpu.memory_space<hbm>> -> memref<2048xf32, #tpu.memory_space<hbm>>
        %dma_start3A_56 = arith.constant 0 : i32
        %dma_start3A_57 = tpu.memref_slice %arg7[%run_scoped3A_17, %dma_start3A_56] : memref<16x2048xf32, #tpu.memory_space<vmem>> -> memref<1x2048xf32, #tpu.memory_space<vmem>>
        %dma_start3A_58 = tpu.memref_squeeze %dma_start3A_57 : memref<1x2048xf32, #tpu.memory_space<vmem>> -> memref<2048xf32, #tpu.memory_space<vmem>>
        tpu.enqueue_dma source(%dma_start3A_58 : memref<2048xf32, #tpu.memory_space<vmem>>) target(%dma_start3A_55 : memref<2048xf32, #tpu.memory_space<hbm>>) target_semaphore(%run_scoped3A_47 : memref<!tpu.dma_semaphore, #tpu.memory_space<semaphore_mem>>)
        %dma_wait3A = arith.constant 0 : i32
        %dma_wait3A_59 = tpu.memref_slice %arg7[%run_scoped3A_17, %dma_wait3A] : memref<16x2048xf32, #tpu.memory_space<vmem>> -> memref<1x2048xf32, #tpu.memory_space<vmem>>
        %dma_wait3A_60 = tpu.memref_squeeze %dma_wait3A_59 : memref<1x2048xf32, #tpu.memory_space<vmem>> -> memref<2048xf32, #tpu.memory_space<vmem>>
        %dma_wait3A_61 = arith.constant 0 : i32
        %dma_wait3A_62 = tpu.memref_slice %arg4[%run_scoped3A_18, %add3A_9, %dma_wait3A_61] : memref<16x2048x2048xf32, #tpu.memory_space<hbm>> -> memref<1x1x2048xf32, #tpu.memory_space<hbm>>
        %dma_wait3A_63 = tpu.memref_squeeze %dma_wait3A_62 : memref<1x1x2048xf32, #tpu.memory_space<hbm>> -> memref<2048xf32, #tpu.memory_space<hbm>>
        %dma_wait3A_64 = arith.constant 0 : i32
        %dma_wait3A_65 = tpu.memref_slice %arg4[%run_scoped3A_18, %add3A_9, %dma_wait3A_64] : memref<16x2048x2048xf32, #tpu.memory_space<hbm>> -> memref<1x1x2048xf32, #tpu.memory_space<hbm>>
        %dma_wait3A_66 = tpu.memref_squeeze %dma_wait3A_65 : memref<1x1x2048xf32, #tpu.memory_space<hbm>> -> memref<2048xf32, #tpu.memory_space<hbm>>
        %dma_wait3A_67 = arith.constant 0 : i32
        %dma_wait3A_68 = tpu.memref_slice %arg7[%run_scoped3A_17, %dma_wait3A_67] : memref<16x2048xf32, #tpu.memory_space<vmem>> -> memref<1x2048xf32, #tpu.memory_space<vmem>>
        %dma_wait3A_69 = tpu.memref_squeeze %dma_wait3A_68 : memref<1x2048xf32, #tpu.memory_space<vmem>> -> memref<2048xf32, #tpu.memory_space<vmem>>
        tpu.wait_dma2 semaphore(%run_scoped3A_47 : memref<!tpu.dma_semaphore, #tpu.memory_space<semaphore_mem>>) src(%dma_wait3A_69 : memref<2048xf32, #tpu.memory_space<vmem>>) dst(%dma_wait3A_66 : memref<2048xf32, #tpu.memory_space<hbm>>)
        tpu.yield
      }) : () -> ()
      %run_scoped3A_19 = arith.constant 2 : i32
      %run_scoped3A_20 = arith.constant 2 : i32
      "tpu.region"() ({
        %run_scoped3A_47 = tpu.sem_alloc : memref<!tpu.dma_semaphore, #tpu.memory_space<semaphore_mem>>
        %dma_start3A = arith.constant 0 : i32
        %dma_start3A_48 = tpu.memref_slice %arg7[%run_scoped3A_19, %dma_start3A] : memref<16x2048xf32, #tpu.memory_space<vmem>> -> memref<1x2048xf32, #tpu.memory_space<vmem>>
        %dma_start3A_49 = tpu.memref_squeeze %dma_start3A_48 : memref<1x2048xf32, #tpu.memory_space<vmem>> -> memref<2048xf32, #tpu.memory_space<vmem>>
        %dma_start3A_50 = arith.constant 0 : i32
        %dma_start3A_51 = tpu.memref_slice %arg4[%run_scoped3A_20, %add3A_9, %dma_start3A_50] : memref<16x2048x2048xf32, #tpu.memory_space<hbm>> -> memref<1x1x2048xf32, #tpu.memory_space<hbm>>
        %dma_start3A_52 = tpu.memref_squeeze %dma_start3A_51 : memref<1x1x2048xf32, #tpu.memory_space<hbm>> -> memref<2048xf32, #tpu.memory_space<hbm>>
        %dma_start3A_53 = arith.constant 0 : i32
        %dma_start3A_54 = tpu.memref_slice %arg4[%run_scoped3A_20, %add3A_9, %dma_start3A_53] : memref<16x2048x2048xf32, #tpu.memory_space<hbm>> -> memref<1x1x2048xf32, #tpu.memory_space<hbm>>
        %dma_start3A_55 = tpu.memref_squeeze %dma_start3A_54 : memref<1x1x2048xf32, #tpu.memory_space<hbm>> -> memref<2048xf32, #tpu.memory_space<hbm>>
        %dma_start3A_56 = arith.constant 0 : i32
        %dma_start3A_57 = tpu.memref_slice %arg7[%run_scoped3A_19, %dma_start3A_56] : memref<16x2048xf32, #tpu.memory_space<vmem>> -> memref<1x2048xf32, #tpu.memory_space<vmem>>
        %dma_start3A_58 = tpu.memref_squeeze %dma_start3A_57 : memref<1x2048xf32, #tpu.memory_space<vmem>> -> memref<2048xf32, #tpu.memory_space<vmem>>
        tpu.enqueue_dma source(%dma_start3A_58 : memref<2048xf32, #tpu.memory_space<vmem>>) target(%dma_start3A_55 : memref<2048xf32, #tpu.memory_space<hbm>>) target_semaphore(%run_scoped3A_47 : memref<!tpu.dma_semaphore, #tpu.memory_space<semaphore_mem>>)
        %dma_wait3A = arith.constant 0 : i32
        %dma_wait3A_59 = tpu.memref_slice %arg7[%run_scoped3A_19, %dma_wait3A] : memref<16x2048xf32, #tpu.memory_space<vmem>> -> memref<1x2048xf32, #tpu.memory_space<vmem>>
        %dma_wait3A_60 = tpu.memref_squeeze %dma_wait3A_59 : memref<1x2048xf32, #tpu.memory_space<vmem>> -> memref<2048xf32, #tpu.memory_space<vmem>>
        %dma_wait3A_61 = arith.constant 0 : i32
        %dma_wait3A_62 = tpu.memref_slice %arg4[%run_scoped3A_20, %add3A_9, %dma_wait3A_61] : memref<16x2048x2048xf32, #tpu.memory_space<hbm>> -> memref<1x1x2048xf32, #tpu.memory_space<hbm>>
        %dma_wait3A_63 = tpu.memref_squeeze %dma_wait3A_62 : memref<1x1x2048xf32, #tpu.memory_space<hbm>> -> memref<2048xf32, #tpu.memory_space<hbm>>
        %dma_wait3A_64 = arith.constant 0 : i32
        %dma_wait3A_65 = tpu.memref_slice %arg4[%run_scoped3A_20, %add3A_9, %dma_wait3A_64] : memref<16x2048x2048xf32, #tpu.memory_space<hbm>> -> memref<1x1x2048xf32, #tpu.memory_space<hbm>>
        %dma_wait3A_66 = tpu.memref_squeeze %dma_wait3A_65 : memref<1x1x2048xf32, #tpu.memory_space<hbm>> -> memref<2048xf32, #tpu.memory_space<hbm>>
        %dma_wait3A_67 = arith.constant 0 : i32
        %dma_wait3A_68 = tpu.memref_slice %arg7[%run_scoped3A_19, %dma_wait3A_67] : memref<16x2048xf32, #tpu.memory_space<vmem>> -> memref<1x2048xf32, #tpu.memory_space<vmem>>
        %dma_wait3A_69 = tpu.memref_squeeze %dma_wait3A_68 : memref<1x2048xf32, #tpu.memory_space<vmem>> -> memref<2048xf32, #tpu.memory_space<vmem>>
        tpu.wait_dma2 semaphore(%run_scoped3A_47 : memref<!tpu.dma_semaphore, #tpu.memory_space<semaphore_mem>>) src(%dma_wait3A_69 : memref<2048xf32, #tpu.memory_space<vmem>>) dst(%dma_wait3A_66 : memref<2048xf32, #tpu.memory_space<hbm>>)
        tpu.yield
      }) : () -> ()
      %run_scoped3A_21 = arith.constant 3 : i32
      %run_scoped3A_22 = arith.constant 3 : i32
      "tpu.region"() ({
        %run_scoped3A_47 = tpu.sem_alloc : memref<!tpu.dma_semaphore, #tpu.memory_space<semaphore_mem>>
        %dma_start3A = arith.constant 0 : i32
        %dma_start3A_48 = tpu.memref_slice %arg7[%run_scoped3A_21, %dma_start3A] : memref<16x2048xf32, #tpu.memory_space<vmem>> -> memref<1x2048xf32, #tpu.memory_space<vmem>>
        %dma_start3A_49 = tpu.memref_squeeze %dma_start3A_48 : memref<1x2048xf32, #tpu.memory_space<vmem>> -> memref<2048xf32, #tpu.memory_space<vmem>>
        %dma_start3A_50 = arith.constant 0 : i32
        %dma_start3A_51 = tpu.memref_slice %arg4[%run_scoped3A_22, %add3A_9, %dma_start3A_50] : memref<16x2048x2048xf32, #tpu.memory_space<hbm>> -> memref<1x1x2048xf32, #tpu.memory_space<hbm>>
        %dma_start3A_52 = tpu.memref_squeeze %dma_start3A_51 : memref<1x1x2048xf32, #tpu.memory_space<hbm>> -> memref<2048xf32, #tpu.memory_space<hbm>>
        %dma_start3A_53 = arith.constant 0 : i32
        %dma_start3A_54 = tpu.memref_slice %arg4[%run_scoped3A_22, %add3A_9, %dma_start3A_53] : memref<16x2048x2048xf32, #tpu.memory_space<hbm>> -> memref<1x1x2048xf32, #tpu.memory_space<hbm>>
        %dma_start3A_55 = tpu.memref_squeeze %dma_start3A_54 : memref<1x1x2048xf32, #tpu.memory_space<hbm>> -> memref<2048xf32, #tpu.memory_space<hbm>>
        %dma_start3A_56 = arith.constant 0 : i32
        %dma_start3A_57 = tpu.memref_slice %arg7[%run_scoped3A_21, %dma_start3A_56] : memref<16x2048xf32, #tpu.memory_space<vmem>> -> memref<1x2048xf32, #tpu.memory_space<vmem>>
        %dma_start3A_58 = tpu.memref_squeeze %dma_start3A_57 : memref<1x2048xf32, #tpu.memory_space<vmem>> -> memref<2048xf32, #tpu.memory_space<vmem>>
        tpu.enqueue_dma source(%dma_start3A_58 : memref<2048xf32, #tpu.memory_space<vmem>>) target(%dma_start3A_55 : memref<2048xf32, #tpu.memory_space<hbm>>) target_semaphore(%run_scoped3A_47 : memref<!tpu.dma_semaphore, #tpu.memory_space<semaphore_mem>>)
        %dma_wait3A = arith.constant 0 : i32
        %dma_wait3A_59 = tpu.memref_slice %arg7[%run_scoped3A_21, %dma_wait3A] : memref<16x2048xf32, #tpu.memory_space<vmem>> -> memref<1x2048xf32, #tpu.memory_space<vmem>>
        %dma_wait3A_60 = tpu.memref_squeeze %dma_wait3A_59 : memref<1x2048xf32, #tpu.memory_space<vmem>> -> memref<2048xf32, #tpu.memory_space<vmem>>
        %dma_wait3A_61 = arith.constant 0 : i32
        %dma_wait3A_62 = tpu.memref_slice %arg4[%run_scoped3A_22, %add3A_9, %dma_wait3A_61] : memref<16x2048x2048xf32, #tpu.memory_space<hbm>> -> memref<1x1x2048xf32, #tpu.memory_space<hbm>>
        %dma_wait3A_63 = tpu.memref_squeeze %dma_wait3A_62 : memref<1x1x2048xf32, #tpu.memory_space<hbm>> -> memref<2048xf32, #tpu.memory_space<hbm>>
        %dma_wait3A_64 = arith.constant 0 : i32
        %dma_wait3A_65 = tpu.memref_slice %arg4[%run_scoped3A_22, %add3A_9, %dma_wait3A_64] : memref<16x2048x2048xf32, #tpu.memory_space<hbm>> -> memref<1x1x2048xf32, #tpu.memory_space<hbm>>
        %dma_wait3A_66 = tpu.memref_squeeze %dma_wait3A_65 : memref<1x1x2048xf32, #tpu.memory_space<hbm>> -> memref<2048xf32, #tpu.memory_space<hbm>>
        %dma_wait3A_67 = arith.constant 0 : i32
        %dma_wait3A_68 = tpu.memref_slice %arg7[%run_scoped3A_21, %dma_wait3A_67] : memref<16x2048xf32, #tpu.memory_space<vmem>> -> memref<1x2048xf32, #tpu.memory_space<vmem>>
        %dma_wait3A_69 = tpu.memref_squeeze %dma_wait3A_68 : memref<1x2048xf32, #tpu.memory_space<vmem>> -> memref<2048xf32, #tpu.memory_space<vmem>>
        tpu.wait_dma2 semaphore(%run_scoped3A_47 : memref<!tpu.dma_semaphore, #tpu.memory_space<semaphore_mem>>) src(%dma_wait3A_69 : memref<2048xf32, #tpu.memory_space<vmem>>) dst(%dma_wait3A_66 : memref<2048xf32, #tpu.memory_space<hbm>>)
        tpu.yield
      }) : () -> ()
      %run_scoped3A_23 = arith.constant 4 : i32
      %run_scoped3A_24 = arith.constant 4 : i32
      "tpu.region"() ({
        %run_scoped3A_47 = tpu.sem_alloc : memref<!tpu.dma_semaphore, #tpu.memory_space<semaphore_mem>>
        %dma_start3A = arith.constant 0 : i32
        %dma_start3A_48 = tpu.memref_slice %arg7[%run_scoped3A_23, %dma_start3A] : memref<16x2048xf32, #tpu.memory_space<vmem>> -> memref<1x2048xf32, #tpu.memory_space<vmem>>
        %dma_start3A_49 = tpu.memref_squeeze %dma_start3A_48 : memref<1x2048xf32, #tpu.memory_space<vmem>> -> memref<2048xf32, #tpu.memory_space<vmem>>
        %dma_start3A_50 = arith.constant 0 : i32
        %dma_start3A_51 = tpu.memref_slice %arg4[%run_scoped3A_24, %add3A_9, %dma_start3A_50] : memref<16x2048x2048xf32, #tpu.memory_space<hbm>> -> memref<1x1x2048xf32, #tpu.memory_space<hbm>>
        %dma_start3A_52 = tpu.memref_squeeze %dma_start3A_51 : memref<1x1x2048xf32, #tpu.memory_space<hbm>> -> memref<2048xf32, #tpu.memory_space<hbm>>
        %dma_start3A_53 = arith.constant 0 : i32
        %dma_start3A_54 = tpu.memref_slice %arg4[%run_scoped3A_24, %add3A_9, %dma_start3A_53] : memref<16x2048x2048xf32, #tpu.memory_space<hbm>> -> memref<1x1x2048xf32, #tpu.memory_space<hbm>>
        %dma_start3A_55 = tpu.memref_squeeze %dma_start3A_54 : memref<1x1x2048xf32, #tpu.memory_space<hbm>> -> memref<2048xf32, #tpu.memory_space<hbm>>
        %dma_start3A_56 = arith.constant 0 : i32
        %dma_start3A_57 = tpu.memref_slice %arg7[%run_scoped3A_23, %dma_start3A_56] : memref<16x2048xf32, #tpu.memory_space<vmem>> -> memref<1x2048xf32, #tpu.memory_space<vmem>>
        %dma_start3A_58 = tpu.memref_squeeze %dma_start3A_57 : memref<1x2048xf32, #tpu.memory_space<vmem>> -> memref<2048xf32, #tpu.memory_space<vmem>>
        tpu.enqueue_dma source(%dma_start3A_58 : memref<2048xf32, #tpu.memory_space<vmem>>) target(%dma_start3A_55 : memref<2048xf32, #tpu.memory_space<hbm>>) target_semaphore(%run_scoped3A_47 : memref<!tpu.dma_semaphore, #tpu.memory_space<semaphore_mem>>)
        %dma_wait3A = arith.constant 0 : i32
        %dma_wait3A_59 = tpu.memref_slice %arg7[%run_scoped3A_23, %dma_wait3A] : memref<16x2048xf32, #tpu.memory_space<vmem>> -> memref<1x2048xf32, #tpu.memory_space<vmem>>
        %dma_wait3A_60 = tpu.memref_squeeze %dma_wait3A_59 : memref<1x2048xf32, #tpu.memory_space<vmem>> -> memref<2048xf32, #tpu.memory_space<vmem>>
        %dma_wait3A_61 = arith.constant 0 : i32
        %dma_wait3A_62 = tpu.memref_slice %arg4[%run_scoped3A_24, %add3A_9, %dma_wait3A_61] : memref<16x2048x2048xf32, #tpu.memory_space<hbm>> -> memref<1x1x2048xf32, #tpu.memory_space<hbm>>
        %dma_wait3A_63 = tpu.memref_squeeze %dma_wait3A_62 : memref<1x1x2048xf32, #tpu.memory_space<hbm>> -> memref<2048xf32, #tpu.memory_space<hbm>>
        %dma_wait3A_64 = arith.constant 0 : i32
        %dma_wait3A_65 = tpu.memref_slice %arg4[%run_scoped3A_24, %add3A_9, %dma_wait3A_64] : memref<16x2048x2048xf32, #tpu.memory_space<hbm>> -> memref<1x1x2048xf32, #tpu.memory_space<hbm>>
        %dma_wait3A_66 = tpu.memref_squeeze %dma_wait3A_65 : memref<1x1x2048xf32, #tpu.memory_space<hbm>> -> memref<2048xf32, #tpu.memory_space<hbm>>
        %dma_wait3A_67 = arith.constant 0 : i32
        %dma_wait3A_68 = tpu.memref_slice %arg7[%run_scoped3A_23, %dma_wait3A_67] : memref<16x2048xf32, #tpu.memory_space<vmem>> -> memref<1x2048xf32, #tpu.memory_space<vmem>>
        %dma_wait3A_69 = tpu.memref_squeeze %dma_wait3A_68 : memref<1x2048xf32, #tpu.memory_space<vmem>> -> memref<2048xf32, #tpu.memory_space<vmem>>
        tpu.wait_dma2 semaphore(%run_scoped3A_47 : memref<!tpu.dma_semaphore, #tpu.memory_space<semaphore_mem>>) src(%dma_wait3A_69 : memref<2048xf32, #tpu.memory_space<vmem>>) dst(%dma_wait3A_66 : memref<2048xf32, #tpu.memory_space<hbm>>)
        tpu.yield
      }) : () -> ()
      %run_scoped3A_25 = arith.constant 5 : i32
      %run_scoped3A_26 = arith.constant 5 : i32
      "tpu.region"() ({
        %run_scoped3A_47 = tpu.sem_alloc : memref<!tpu.dma_semaphore, #tpu.memory_space<semaphore_mem>>
        %dma_start3A = arith.constant 0 : i32
        %dma_start3A_48 = tpu.memref_slice %arg7[%run_scoped3A_25, %dma_start3A] : memref<16x2048xf32, #tpu.memory_space<vmem>> -> memref<1x2048xf32, #tpu.memory_space<vmem>>
        %dma_start3A_49 = tpu.memref_squeeze %dma_start3A_48 : memref<1x2048xf32, #tpu.memory_space<vmem>> -> memref<2048xf32, #tpu.memory_space<vmem>>
        %dma_start3A_50 = arith.constant 0 : i32
        %dma_start3A_51 = tpu.memref_slice %arg4[%run_scoped3A_26, %add3A_9, %dma_start3A_50] : memref<16x2048x2048xf32, #tpu.memory_space<hbm>> -> memref<1x1x2048xf32, #tpu.memory_space<hbm>>
        %dma_start3A_52 = tpu.memref_squeeze %dma_start3A_51 : memref<1x1x2048xf32, #tpu.memory_space<hbm>> -> memref<2048xf32, #tpu.memory_space<hbm>>
        %dma_start3A_53 = arith.constant 0 : i32
        %dma_start3A_54 = tpu.memref_slice %arg4[%run_scoped3A_26, %add3A_9, %dma_start3A_53] : memref<16x2048x2048xf32, #tpu.memory_space<hbm>> -> memref<1x1x2048xf32, #tpu.memory_space<hbm>>
        %dma_start3A_55 = tpu.memref_squeeze %dma_start3A_54 : memref<1x1x2048xf32, #tpu.memory_space<hbm>> -> memref<2048xf32, #tpu.memory_space<hbm>>
        %dma_start3A_56 = arith.constant 0 : i32
        %dma_start3A_57 = tpu.memref_slice %arg7[%run_scoped3A_25, %dma_start3A_56] : memref<16x2048xf32, #tpu.memory_space<vmem>> -> memref<1x2048xf32, #tpu.memory_space<vmem>>
        %dma_start3A_58 = tpu.memref_squeeze %dma_start3A_57 : memref<1x2048xf32, #tpu.memory_space<vmem>> -> memref<2048xf32, #tpu.memory_space<vmem>>
        tpu.enqueue_dma source(%dma_start3A_58 : memref<2048xf32, #tpu.memory_space<vmem>>) target(%dma_start3A_55 : memref<2048xf32, #tpu.memory_space<hbm>>) target_semaphore(%run_scoped3A_47 : memref<!tpu.dma_semaphore, #tpu.memory_space<semaphore_mem>>)
        %dma_wait3A = arith.constant 0 : i32
        %dma_wait3A_59 = tpu.memref_slice %arg7[%run_scoped3A_25, %dma_wait3A] : memref<16x2048xf32, #tpu.memory_space<vmem>> -> memref<1x2048xf32, #tpu.memory_space<vmem>>
        %dma_wait3A_60 = tpu.memref_squeeze %dma_wait3A_59 : memref<1x2048xf32, #tpu.memory_space<vmem>> -> memref<2048xf32, #tpu.memory_space<vmem>>
        %dma_wait3A_61 = arith.constant 0 : i32
        %dma_wait3A_62 = tpu.memref_slice %arg4[%run_scoped3A_26, %add3A_9, %dma_wait3A_61] : memref<16x2048x2048xf32, #tpu.memory_space<hbm>> -> memref<1x1x2048xf32, #tpu.memory_space<hbm>>
        %dma_wait3A_63 = tpu.memref_squeeze %dma_wait3A_62 : memref<1x1x2048xf32, #tpu.memory_space<hbm>> -> memref<2048xf32, #tpu.memory_space<hbm>>
        %dma_wait3A_64 = arith.constant 0 : i32
        %dma_wait3A_65 = tpu.memref_slice %arg4[%run_scoped3A_26, %add3A_9, %dma_wait3A_64] : memref<16x2048x2048xf32, #tpu.memory_space<hbm>> -> memref<1x1x2048xf32, #tpu.memory_space<hbm>>
        %dma_wait3A_66 = tpu.memref_squeeze %dma_wait3A_65 : memref<1x1x2048xf32, #tpu.memory_space<hbm>> -> memref<2048xf32, #tpu.memory_space<hbm>>
        %dma_wait3A_67 = arith.constant 0 : i32
        %dma_wait3A_68 = tpu.memref_slice %arg7[%run_scoped3A_25, %dma_wait3A_67] : memref<16x2048xf32, #tpu.memory_space<vmem>> -> memref<1x2048xf32, #tpu.memory_space<vmem>>
        %dma_wait3A_69 = tpu.memref_squeeze %dma_wait3A_68 : memref<1x2048xf32, #tpu.memory_space<vmem>> -> memref<2048xf32, #tpu.memory_space<vmem>>
        tpu.wait_dma2 semaphore(%run_scoped3A_47 : memref<!tpu.dma_semaphore, #tpu.memory_space<semaphore_mem>>) src(%dma_wait3A_69 : memref<2048xf32, #tpu.memory_space<vmem>>) dst(%dma_wait3A_66 : memref<2048xf32, #tpu.memory_space<hbm>>)
        tpu.yield
      }) : () -> ()
      %run_scoped3A_27 = arith.constant 6 : i32
      %run_scoped3A_28 = arith.constant 6 : i32
      "tpu.region"() ({
        %run_scoped3A_47 = tpu.sem_alloc : memref<!tpu.dma_semaphore, #tpu.memory_space<semaphore_mem>>
        %dma_start3A = arith.constant 0 : i32
        %dma_start3A_48 = tpu.memref_slice %arg7[%run_scoped3A_27, %dma_start3A] : memref<16x2048xf32, #tpu.memory_space<vmem>> -> memref<1x2048xf32, #tpu.memory_space<vmem>>
        %dma_start3A_49 = tpu.memref_squeeze %dma_start3A_48 : memref<1x2048xf32, #tpu.memory_space<vmem>> -> memref<2048xf32, #tpu.memory_space<vmem>>
        %dma_start3A_50 = arith.constant 0 : i32
        %dma_start3A_51 = tpu.memref_slice %arg4[%run_scoped3A_28, %add3A_9, %dma_start3A_50] : memref<16x2048x2048xf32, #tpu.memory_space<hbm>> -> memref<1x1x2048xf32, #tpu.memory_space<hbm>>
        %dma_start3A_52 = tpu.memref_squeeze %dma_start3A_51 : memref<1x1x2048xf32, #tpu.memory_space<hbm>> -> memref<2048xf32, #tpu.memory_space<hbm>>
        %dma_start3A_53 = arith.constant 0 : i32
        %dma_start3A_54 = tpu.memref_slice %arg4[%run_scoped3A_28, %add3A_9, %dma_start3A_53] : memref<16x2048x2048xf32, #tpu.memory_space<hbm>> -> memref<1x1x2048xf32, #tpu.memory_space<hbm>>
        %dma_start3A_55 = tpu.memref_squeeze %dma_start3A_54 : memref<1x1x2048xf32, #tpu.memory_space<hbm>> -> memref<2048xf32, #tpu.memory_space<hbm>>
        %dma_start3A_56 = arith.constant 0 : i32
        %dma_start3A_57 = tpu.memref_slice %arg7[%run_scoped3A_27, %dma_start3A_56] : memref<16x2048xf32, #tpu.memory_space<vmem>> -> memref<1x2048xf32, #tpu.memory_space<vmem>>
        %dma_start3A_58 = tpu.memref_squeeze %dma_start3A_57 : memref<1x2048xf32, #tpu.memory_space<vmem>> -> memref<2048xf32, #tpu.memory_space<vmem>>
        tpu.enqueue_dma source(%dma_start3A_58 : memref<2048xf32, #tpu.memory_space<vmem>>) target(%dma_start3A_55 : memref<2048xf32, #tpu.memory_space<hbm>>) target_semaphore(%run_scoped3A_47 : memref<!tpu.dma_semaphore, #tpu.memory_space<semaphore_mem>>)
        %dma_wait3A = arith.constant 0 : i32
        %dma_wait3A_59 = tpu.memref_slice %arg7[%run_scoped3A_27, %dma_wait3A] : memref<16x2048xf32, #tpu.memory_space<vmem>> -> memref<1x2048xf32, #tpu.memory_space<vmem>>
        %dma_wait3A_60 = tpu.memref_squeeze %dma_wait3A_59 : memref<1x2048xf32, #tpu.memory_space<vmem>> -> memref<2048xf32, #tpu.memory_space<vmem>>
        %dma_wait3A_61 = arith.constant 0 : i32
        %dma_wait3A_62 = tpu.memref_slice %arg4[%run_scoped3A_28, %add3A_9, %dma_wait3A_61] : memref<16x2048x2048xf32, #tpu.memory_space<hbm>> -> memref<1x1x2048xf32, #tpu.memory_space<hbm>>
        %dma_wait3A_63 = tpu.memref_squeeze %dma_wait3A_62 : memref<1x1x2048xf32, #tpu.memory_space<hbm>> -> memref<2048xf32, #tpu.memory_space<hbm>>
        %dma_wait3A_64 = arith.constant 0 : i32
        %dma_wait3A_65 = tpu.memref_slice %arg4[%run_scoped3A_28, %add3A_9, %dma_wait3A_64] : memref<16x2048x2048xf32, #tpu.memory_space<hbm>> -> memref<1x1x2048xf32, #tpu.memory_space<hbm>>
        %dma_wait3A_66 = tpu.memref_squeeze %dma_wait3A_65 : memref<1x1x2048xf32, #tpu.memory_space<hbm>> -> memref<2048xf32, #tpu.memory_space<hbm>>
        %dma_wait3A_67 = arith.constant 0 : i32
        %dma_wait3A_68 = tpu.memref_slice %arg7[%run_scoped3A_27, %dma_wait3A_67] : memref<16x2048xf32, #tpu.memory_space<vmem>> -> memref<1x2048xf32, #tpu.memory_space<vmem>>
        %dma_wait3A_69 = tpu.memref_squeeze %dma_wait3A_68 : memref<1x2048xf32, #tpu.memory_space<vmem>> -> memref<2048xf32, #tpu.memory_space<vmem>>
        tpu.wait_dma2 semaphore(%run_scoped3A_47 : memref<!tpu.dma_semaphore, #tpu.memory_space<semaphore_mem>>) src(%dma_wait3A_69 : memref<2048xf32, #tpu.memory_space<vmem>>) dst(%dma_wait3A_66 : memref<2048xf32, #tpu.memory_space<hbm>>)
        tpu.yield
      }) : () -> ()
      %run_scoped3A_29 = arith.constant 7 : i32
      %run_scoped3A_30 = arith.constant 7 : i32
      "tpu.region"() ({
        %run_scoped3A_47 = tpu.sem_alloc : memref<!tpu.dma_semaphore, #tpu.memory_space<semaphore_mem>>
        %dma_start3A = arith.constant 0 : i32
        %dma_start3A_48 = tpu.memref_slice %arg7[%run_scoped3A_29, %dma_start3A] : memref<16x2048xf32, #tpu.memory_space<vmem>> -> memref<1x2048xf32, #tpu.memory_space<vmem>>
        %dma_start3A_49 = tpu.memref_squeeze %dma_start3A_48 : memref<1x2048xf32, #tpu.memory_space<vmem>> -> memref<2048xf32, #tpu.memory_space<vmem>>
        %dma_start3A_50 = arith.constant 0 : i32
        %dma_start3A_51 = tpu.memref_slice %arg4[%run_scoped3A_30, %add3A_9, %dma_start3A_50] : memref<16x2048x2048xf32, #tpu.memory_space<hbm>> -> memref<1x1x2048xf32, #tpu.memory_space<hbm>>
        %dma_start3A_52 = tpu.memref_squeeze %dma_start3A_51 : memref<1x1x2048xf32, #tpu.memory_space<hbm>> -> memref<2048xf32, #tpu.memory_space<hbm>>
        %dma_start3A_53 = arith.constant 0 : i32
        %dma_start3A_54 = tpu.memref_slice %arg4[%run_scoped3A_30, %add3A_9, %dma_start3A_53] : memref<16x2048x2048xf32, #tpu.memory_space<hbm>> -> memref<1x1x2048xf32, #tpu.memory_space<hbm>>
        %dma_start3A_55 = tpu.memref_squeeze %dma_start3A_54 : memref<1x1x2048xf32, #tpu.memory_space<hbm>> -> memref<2048xf32, #tpu.memory_space<hbm>>
        %dma_start3A_56 = arith.constant 0 : i32
        %dma_start3A_57 = tpu.memref_slice %arg7[%run_scoped3A_29, %dma_start3A_56] : memref<16x2048xf32, #tpu.memory_space<vmem>> -> memref<1x2048xf32, #tpu.memory_space<vmem>>
        %dma_start3A_58 = tpu.memref_squeeze %dma_start3A_57 : memref<1x2048xf32, #tpu.memory_space<vmem>> -> memref<2048xf32, #tpu.memory_space<vmem>>
        tpu.enqueue_dma source(%dma_start3A_58 : memref<2048xf32, #tpu.memory_space<vmem>>) target(%dma_start3A_55 : memref<2048xf32, #tpu.memory_space<hbm>>) target_semaphore(%run_scoped3A_47 : memref<!tpu.dma_semaphore, #tpu.memory_space<semaphore_mem>>)
        %dma_wait3A = arith.constant 0 : i32
        %dma_wait3A_59 = tpu.memref_slice %arg7[%run_scoped3A_29, %dma_wait3A] : memref<16x2048xf32, #tpu.memory_space<vmem>> -> memref<1x2048xf32, #tpu.memory_space<vmem>>
        %dma_wait3A_60 = tpu.memref_squeeze %dma_wait3A_59 : memref<1x2048xf32, #tpu.memory_space<vmem>> -> memref<2048xf32, #tpu.memory_space<vmem>>
        %dma_wait3A_61 = arith.constant 0 : i32
        %dma_wait3A_62 = tpu.memref_slice %arg4[%run_scoped3A_30, %add3A_9, %dma_wait3A_61] : memref<16x2048x2048xf32, #tpu.memory_space<hbm>> -> memref<1x1x2048xf32, #tpu.memory_space<hbm>>
        %dma_wait3A_63 = tpu.memref_squeeze %dma_wait3A_62 : memref<1x1x2048xf32, #tpu.memory_space<hbm>> -> memref<2048xf32, #tpu.memory_space<hbm>>
        %dma_wait3A_64 = arith.constant 0 : i32
        %dma_wait3A_65 = tpu.memref_slice %arg4[%run_scoped3A_30, %add3A_9, %dma_wait3A_64] : memref<16x2048x2048xf32, #tpu.memory_space<hbm>> -> memref<1x1x2048xf32, #tpu.memory_space<hbm>>
        %dma_wait3A_66 = tpu.memref_squeeze %dma_wait3A_65 : memref<1x1x2048xf32, #tpu.memory_space<hbm>> -> memref<2048xf32, #tpu.memory_space<hbm>>
        %dma_wait3A_67 = arith.constant 0 : i32
        %dma_wait3A_68 = tpu.memref_slice %arg7[%run_scoped3A_29, %dma_wait3A_67] : memref<16x2048xf32, #tpu.memory_space<vmem>> -> memref<1x2048xf32, #tpu.memory_space<vmem>>
        %dma_wait3A_69 = tpu.memref_squeeze %dma_wait3A_68 : memref<1x2048xf32, #tpu.memory_space<vmem>> -> memref<2048xf32, #tpu.memory_space<vmem>>
        tpu.wait_dma2 semaphore(%run_scoped3A_47 : memref<!tpu.dma_semaphore, #tpu.memory_space<semaphore_mem>>) src(%dma_wait3A_69 : memref<2048xf32, #tpu.memory_space<vmem>>) dst(%dma_wait3A_66 : memref<2048xf32, #tpu.memory_space<hbm>>)
        tpu.yield
      }) : () -> ()
      %run_scoped3A_31 = arith.constant 8 : i32
      %run_scoped3A_32 = arith.constant 8 : i32
      "tpu.region"() ({
        %run_scoped3A_47 = tpu.sem_alloc : memref<!tpu.dma_semaphore, #tpu.memory_space<semaphore_mem>>
        %dma_start3A = arith.constant 0 : i32
        %dma_start3A_48 = tpu.memref_slice %arg7[%run_scoped3A_31, %dma_start3A] : memref<16x2048xf32, #tpu.memory_space<vmem>> -> memref<1x2048xf32, #tpu.memory_space<vmem>>
        %dma_start3A_49 = tpu.memref_squeeze %dma_start3A_48 : memref<1x2048xf32, #tpu.memory_space<vmem>> -> memref<2048xf32, #tpu.memory_space<vmem>>
        %dma_start3A_50 = arith.constant 0 : i32
        %dma_start3A_51 = tpu.memref_slice %arg4[%run_scoped3A_32, %add3A_9, %dma_start3A_50] : memref<16x2048x2048xf32, #tpu.memory_space<hbm>> -> memref<1x1x2048xf32, #tpu.memory_space<hbm>>
        %dma_start3A_52 = tpu.memref_squeeze %dma_start3A_51 : memref<1x1x2048xf32, #tpu.memory_space<hbm>> -> memref<2048xf32, #tpu.memory_space<hbm>>
        %dma_start3A_53 = arith.constant 0 : i32
        %dma_start3A_54 = tpu.memref_slice %arg4[%run_scoped3A_32, %add3A_9, %dma_start3A_53] : memref<16x2048x2048xf32, #tpu.memory_space<hbm>> -> memref<1x1x2048xf32, #tpu.memory_space<hbm>>
        %dma_start3A_55 = tpu.memref_squeeze %dma_start3A_54 : memref<1x1x2048xf32, #tpu.memory_space<hbm>> -> memref<2048xf32, #tpu.memory_space<hbm>>
        %dma_start3A_56 = arith.constant 0 : i32
        %dma_start3A_57 = tpu.memref_slice %arg7[%run_scoped3A_31, %dma_start3A_56] : memref<16x2048xf32, #tpu.memory_space<vmem>> -> memref<1x2048xf32, #tpu.memory_space<vmem>>
        %dma_start3A_58 = tpu.memref_squeeze %dma_start3A_57 : memref<1x2048xf32, #tpu.memory_space<vmem>> -> memref<2048xf32, #tpu.memory_space<vmem>>
        tpu.enqueue_dma source(%dma_start3A_58 : memref<2048xf32, #tpu.memory_space<vmem>>) target(%dma_start3A_55 : memref<2048xf32, #tpu.memory_space<hbm>>) target_semaphore(%run_scoped3A_47 : memref<!tpu.dma_semaphore, #tpu.memory_space<semaphore_mem>>)
        %dma_wait3A = arith.constant 0 : i32
        %dma_wait3A_59 = tpu.memref_slice %arg7[%run_scoped3A_31, %dma_wait3A] : memref<16x2048xf32, #tpu.memory_space<vmem>> -> memref<1x2048xf32, #tpu.memory_space<vmem>>
        %dma_wait3A_60 = tpu.memref_squeeze %dma_wait3A_59 : memref<1x2048xf32, #tpu.memory_space<vmem>> -> memref<2048xf32, #tpu.memory_space<vmem>>
        %dma_wait3A_61 = arith.constant 0 : i32
        %dma_wait3A_62 = tpu.memref_slice %arg4[%run_scoped3A_32, %add3A_9, %dma_wait3A_61] : memref<16x2048x2048xf32, #tpu.memory_space<hbm>> -> memref<1x1x2048xf32, #tpu.memory_space<hbm>>
        %dma_wait3A_63 = tpu.memref_squeeze %dma_wait3A_62 : memref<1x1x2048xf32, #tpu.memory_space<hbm>> -> memref<2048xf32, #tpu.memory_space<hbm>>
        %dma_wait3A_64 = arith.constant 0 : i32
        %dma_wait3A_65 = tpu.memref_slice %arg4[%run_scoped3A_32, %add3A_9, %dma_wait3A_64] : memref<16x2048x2048xf32, #tpu.memory_space<hbm>> -> memref<1x1x2048xf32, #tpu.memory_space<hbm>>
        %dma_wait3A_66 = tpu.memref_squeeze %dma_wait3A_65 : memref<1x1x2048xf32, #tpu.memory_space<hbm>> -> memref<2048xf32, #tpu.memory_space<hbm>>
        %dma_wait3A_67 = arith.constant 0 : i32
        %dma_wait3A_68 = tpu.memref_slice %arg7[%run_scoped3A_31, %dma_wait3A_67] : memref<16x2048xf32, #tpu.memory_space<vmem>> -> memref<1x2048xf32, #tpu.memory_space<vmem>>
        %dma_wait3A_69 = tpu.memref_squeeze %dma_wait3A_68 : memref<1x2048xf32, #tpu.memory_space<vmem>> -> memref<2048xf32, #tpu.memory_space<vmem>>
        tpu.wait_dma2 semaphore(%run_scoped3A_47 : memref<!tpu.dma_semaphore, #tpu.memory_space<semaphore_mem>>) src(%dma_wait3A_69 : memref<2048xf32, #tpu.memory_space<vmem>>) dst(%dma_wait3A_66 : memref<2048xf32, #tpu.memory_space<hbm>>)
        tpu.yield
      }) : () -> ()
      %run_scoped3A_33 = arith.constant 9 : i32
      %run_scoped3A_34 = arith.constant 9 : i32
      "tpu.region"() ({
        %run_scoped3A_47 = tpu.sem_alloc : memref<!tpu.dma_semaphore, #tpu.memory_space<semaphore_mem>>
        %dma_start3A = arith.constant 0 : i32
        %dma_start3A_48 = tpu.memref_slice %arg7[%run_scoped3A_33, %dma_start3A] : memref<16x2048xf32, #tpu.memory_space<vmem>> -> memref<1x2048xf32, #tpu.memory_space<vmem>>
        %dma_start3A_49 = tpu.memref_squeeze %dma_start3A_48 : memref<1x2048xf32, #tpu.memory_space<vmem>> -> memref<2048xf32, #tpu.memory_space<vmem>>
        %dma_start3A_50 = arith.constant 0 : i32
        %dma_start3A_51 = tpu.memref_slice %arg4[%run_scoped3A_34, %add3A_9, %dma_start3A_50] : memref<16x2048x2048xf32, #tpu.memory_space<hbm>> -> memref<1x1x2048xf32, #tpu.memory_space<hbm>>
        %dma_start3A_52 = tpu.memref_squeeze %dma_start3A_51 : memref<1x1x2048xf32, #tpu.memory_space<hbm>> -> memref<2048xf32, #tpu.memory_space<hbm>>
        %dma_start3A_53 = arith.constant 0 : i32
        %dma_start3A_54 = tpu.memref_slice %arg4[%run_scoped3A_34, %add3A_9, %dma_start3A_53] : memref<16x2048x2048xf32, #tpu.memory_space<hbm>> -> memref<1x1x2048xf32, #tpu.memory_space<hbm>>
        %dma_start3A_55 = tpu.memref_squeeze %dma_start3A_54 : memref<1x1x2048xf32, #tpu.memory_space<hbm>> -> memref<2048xf32, #tpu.memory_space<hbm>>
        %dma_start3A_56 = arith.constant 0 : i32
        %dma_start3A_57 = tpu.memref_slice %arg7[%run_scoped3A_33, %dma_start3A_56] : memref<16x2048xf32, #tpu.memory_space<vmem>> -> memref<1x2048xf32, #tpu.memory_space<vmem>>
        %dma_start3A_58 = tpu.memref_squeeze %dma_start3A_57 : memref<1x2048xf32, #tpu.memory_space<vmem>> -> memref<2048xf32, #tpu.memory_space<vmem>>
        tpu.enqueue_dma source(%dma_start3A_58 : memref<2048xf32, #tpu.memory_space<vmem>>) target(%dma_start3A_55 : memref<2048xf32, #tpu.memory_space<hbm>>) target_semaphore(%run_scoped3A_47 : memref<!tpu.dma_semaphore, #tpu.memory_space<semaphore_mem>>)
        %dma_wait3A = arith.constant 0 : i32
        %dma_wait3A_59 = tpu.memref_slice %arg7[%run_scoped3A_33, %dma_wait3A] : memref<16x2048xf32, #tpu.memory_space<vmem>> -> memref<1x2048xf32, #tpu.memory_space<vmem>>
        %dma_wait3A_60 = tpu.memref_squeeze %dma_wait3A_59 : memref<1x2048xf32, #tpu.memory_space<vmem>> -> memref<2048xf32, #tpu.memory_space<vmem>>
        %dma_wait3A_61 = arith.constant 0 : i32
        %dma_wait3A_62 = tpu.memref_slice %arg4[%run_scoped3A_34, %add3A_9, %dma_wait3A_61] : memref<16x2048x2048xf32, #tpu.memory_space<hbm>> -> memref<1x1x2048xf32, #tpu.memory_space<hbm>>
        %dma_wait3A_63 = tpu.memref_squeeze %dma_wait3A_62 : memref<1x1x2048xf32, #tpu.memory_space<hbm>> -> memref<2048xf32, #tpu.memory_space<hbm>>
        %dma_wait3A_64 = arith.constant 0 : i32
        %dma_wait3A_65 = tpu.memref_slice %arg4[%run_scoped3A_34, %add3A_9, %dma_wait3A_64] : memref<16x2048x2048xf32, #tpu.memory_space<hbm>> -> memref<1x1x2048xf32, #tpu.memory_space<hbm>>
        %dma_wait3A_66 = tpu.memref_squeeze %dma_wait3A_65 : memref<1x1x2048xf32, #tpu.memory_space<hbm>> -> memref<2048xf32, #tpu.memory_space<hbm>>
        %dma_wait3A_67 = arith.constant 0 : i32
        %dma_wait3A_68 = tpu.memref_slice %arg7[%run_scoped3A_33, %dma_wait3A_67] : memref<16x2048xf32, #tpu.memory_space<vmem>> -> memref<1x2048xf32, #tpu.memory_space<vmem>>
        %dma_wait3A_69 = tpu.memref_squeeze %dma_wait3A_68 : memref<1x2048xf32, #tpu.memory_space<vmem>> -> memref<2048xf32, #tpu.memory_space<vmem>>
        tpu.wait_dma2 semaphore(%run_scoped3A_47 : memref<!tpu.dma_semaphore, #tpu.memory_space<semaphore_mem>>) src(%dma_wait3A_69 : memref<2048xf32, #tpu.memory_space<vmem>>) dst(%dma_wait3A_66 : memref<2048xf32, #tpu.memory_space<hbm>>)
        tpu.yield
      }) : () -> ()
      %run_scoped3A_35 = arith.constant 10 : i32
      %run_scoped3A_36 = arith.constant 10 : i32
      "tpu.region"() ({
        %run_scoped3A_47 = tpu.sem_alloc : memref<!tpu.dma_semaphore, #tpu.memory_space<semaphore_mem>>
        %dma_start3A = arith.constant 0 : i32
        %dma_start3A_48 = tpu.memref_slice %arg7[%run_scoped3A_35, %dma_start3A] : memref<16x2048xf32, #tpu.memory_space<vmem>> -> memref<1x2048xf32, #tpu.memory_space<vmem>>
        %dma_start3A_49 = tpu.memref_squeeze %dma_start3A_48 : memref<1x2048xf32, #tpu.memory_space<vmem>> -> memref<2048xf32, #tpu.memory_space<vmem>>
        %dma_start3A_50 = arith.constant 0 : i32
        %dma_start3A_51 = tpu.memref_slice %arg4[%run_scoped3A_36, %add3A_9, %dma_start3A_50] : memref<16x2048x2048xf32, #tpu.memory_space<hbm>> -> memref<1x1x2048xf32, #tpu.memory_space<hbm>>
        %dma_start3A_52 = tpu.memref_squeeze %dma_start3A_51 : memref<1x1x2048xf32, #tpu.memory_space<hbm>> -> memref<2048xf32, #tpu.memory_space<hbm>>
        %dma_start3A_53 = arith.constant 0 : i32
        %dma_start3A_54 = tpu.memref_slice %arg4[%run_scoped3A_36, %add3A_9, %dma_start3A_53] : memref<16x2048x2048xf32, #tpu.memory_space<hbm>> -> memref<1x1x2048xf32, #tpu.memory_space<hbm>>
        %dma_start3A_55 = tpu.memref_squeeze %dma_start3A_54 : memref<1x1x2048xf32, #tpu.memory_space<hbm>> -> memref<2048xf32, #tpu.memory_space<hbm>>
        %dma_start3A_56 = arith.constant 0 : i32
        %dma_start3A_57 = tpu.memref_slice %arg7[%run_scoped3A_35, %dma_start3A_56] : memref<16x2048xf32, #tpu.memory_space<vmem>> -> memref<1x2048xf32, #tpu.memory_space<vmem>>
        %dma_start3A_58 = tpu.memref_squeeze %dma_start3A_57 : memref<1x2048xf32, #tpu.memory_space<vmem>> -> memref<2048xf32, #tpu.memory_space<vmem>>
        tpu.enqueue_dma source(%dma_start3A_58 : memref<2048xf32, #tpu.memory_space<vmem>>) target(%dma_start3A_55 : memref<2048xf32, #tpu.memory_space<hbm>>) target_semaphore(%run_scoped3A_47 : memref<!tpu.dma_semaphore, #tpu.memory_space<semaphore_mem>>)
        %dma_wait3A = arith.constant 0 : i32
        %dma_wait3A_59 = tpu.memref_slice %arg7[%run_scoped3A_35, %dma_wait3A] : memref<16x2048xf32, #tpu.memory_space<vmem>> -> memref<1x2048xf32, #tpu.memory_space<vmem>>
        %dma_wait3A_60 = tpu.memref_squeeze %dma_wait3A_59 : memref<1x2048xf32, #tpu.memory_space<vmem>> -> memref<2048xf32, #tpu.memory_space<vmem>>
        %dma_wait3A_61 = arith.constant 0 : i32
        %dma_wait3A_62 = tpu.memref_slice %arg4[%run_scoped3A_36, %add3A_9, %dma_wait3A_61] : memref<16x2048x2048xf32, #tpu.memory_space<hbm>> -> memref<1x1x2048xf32, #tpu.memory_space<hbm>>
        %dma_wait3A_63 = tpu.memref_squeeze %dma_wait3A_62 : memref<1x1x2048xf32, #tpu.memory_space<hbm>> -> memref<2048xf32, #tpu.memory_space<hbm>>
        %dma_wait3A_64 = arith.constant 0 : i32
        %dma_wait3A_65 = tpu.memref_slice %arg4[%run_scoped3A_36, %add3A_9, %dma_wait3A_64] : memref<16x2048x2048xf32, #tpu.memory_space<hbm>> -> memref<1x1x2048xf32, #tpu.memory_space<hbm>>
        %dma_wait3A_66 = tpu.memref_squeeze %dma_wait3A_65 : memref<1x1x2048xf32, #tpu.memory_space<hbm>> -> memref<2048xf32, #tpu.memory_space<hbm>>
        %dma_wait3A_67 = arith.constant 0 : i32
        %dma_wait3A_68 = tpu.memref_slice %arg7[%run_scoped3A_35, %dma_wait3A_67] : memref<16x2048xf32, #tpu.memory_space<vmem>> -> memref<1x2048xf32, #tpu.memory_space<vmem>>
        %dma_wait3A_69 = tpu.memref_squeeze %dma_wait3A_68 : memref<1x2048xf32, #tpu.memory_space<vmem>> -> memref<2048xf32, #tpu.memory_space<vmem>>
        tpu.wait_dma2 semaphore(%run_scoped3A_47 : memref<!tpu.dma_semaphore, #tpu.memory_space<semaphore_mem>>) src(%dma_wait3A_69 : memref<2048xf32, #tpu.memory_space<vmem>>) dst(%dma_wait3A_66 : memref<2048xf32, #tpu.memory_space<hbm>>)
        tpu.yield
      }) : () -> ()
      %run_scoped3A_37 = arith.constant 11 : i32
      %run_scoped3A_38 = arith.constant 11 : i32
      "tpu.region"() ({
        %run_scoped3A_47 = tpu.sem_alloc : memref<!tpu.dma_semaphore, #tpu.memory_space<semaphore_mem>>
        %dma_start3A = arith.constant 0 : i32
        %dma_start3A_48 = tpu.memref_slice %arg7[%run_scoped3A_37, %dma_start3A] : memref<16x2048xf32, #tpu.memory_space<vmem>> -> memref<1x2048xf32, #tpu.memory_space<vmem>>
        %dma_start3A_49 = tpu.memref_squeeze %dma_start3A_48 : memref<1x2048xf32, #tpu.memory_space<vmem>> -> memref<2048xf32, #tpu.memory_space<vmem>>
        %dma_start3A_50 = arith.constant 0 : i32
        %dma_start3A_51 = tpu.memref_slice %arg4[%run_scoped3A_38, %add3A_9, %dma_start3A_50] : memref<16x2048x2048xf32, #tpu.memory_space<hbm>> -> memref<1x1x2048xf32, #tpu.memory_space<hbm>>
        %dma_start3A_52 = tpu.memref_squeeze %dma_start3A_51 : memref<1x1x2048xf32, #tpu.memory_space<hbm>> -> memref<2048xf32, #tpu.memory_space<hbm>>
        %dma_start3A_53 = arith.constant 0 : i32
        %dma_start3A_54 = tpu.memref_slice %arg4[%run_scoped3A_38, %add3A_9, %dma_start3A_53] : memref<16x2048x2048xf32, #tpu.memory_space<hbm>> -> memref<1x1x2048xf32, #tpu.memory_space<hbm>>
        %dma_start3A_55 = tpu.memref_squeeze %dma_start3A_54 : memref<1x1x2048xf32, #tpu.memory_space<hbm>> -> memref<2048xf32, #tpu.memory_space<hbm>>
        %dma_start3A_56 = arith.constant 0 : i32
        %dma_start3A_57 = tpu.memref_slice %arg7[%run_scoped3A_37, %dma_start3A_56] : memref<16x2048xf32, #tpu.memory_space<vmem>> -> memref<1x2048xf32, #tpu.memory_space<vmem>>
        %dma_start3A_58 = tpu.memref_squeeze %dma_start3A_57 : memref<1x2048xf32, #tpu.memory_space<vmem>> -> memref<2048xf32, #tpu.memory_space<vmem>>
        tpu.enqueue_dma source(%dma_start3A_58 : memref<2048xf32, #tpu.memory_space<vmem>>) target(%dma_start3A_55 : memref<2048xf32, #tpu.memory_space<hbm>>) target_semaphore(%run_scoped3A_47 : memref<!tpu.dma_semaphore, #tpu.memory_space<semaphore_mem>>)
        %dma_wait3A = arith.constant 0 : i32
        %dma_wait3A_59 = tpu.memref_slice %arg7[%run_scoped3A_37, %dma_wait3A] : memref<16x2048xf32, #tpu.memory_space<vmem>> -> memref<1x2048xf32, #tpu.memory_space<vmem>>
        %dma_wait3A_60 = tpu.memref_squeeze %dma_wait3A_59 : memref<1x2048xf32, #tpu.memory_space<vmem>> -> memref<2048xf32, #tpu.memory_space<vmem>>
        %dma_wait3A_61 = arith.constant 0 : i32
        %dma_wait3A_62 = tpu.memref_slice %arg4[%run_scoped3A_38, %add3A_9, %dma_wait3A_61] : memref<16x2048x2048xf32, #tpu.memory_space<hbm>> -> memref<1x1x2048xf32, #tpu.memory_space<hbm>>
        %dma_wait3A_63 = tpu.memref_squeeze %dma_wait3A_62 : memref<1x1x2048xf32, #tpu.memory_space<hbm>> -> memref<2048xf32, #tpu.memory_space<hbm>>
        %dma_wait3A_64 = arith.constant 0 : i32
        %dma_wait3A_65 = tpu.memref_slice %arg4[%run_scoped3A_38, %add3A_9, %dma_wait3A_64] : memref<16x2048x2048xf32, #tpu.memory_space<hbm>> -> memref<1x1x2048xf32, #tpu.memory_space<hbm>>
        %dma_wait3A_66 = tpu.memref_squeeze %dma_wait3A_65 : memref<1x1x2048xf32, #tpu.memory_space<hbm>> -> memref<2048xf32, #tpu.memory_space<hbm>>
        %dma_wait3A_67 = arith.constant 0 : i32
        %dma_wait3A_68 = tpu.memref_slice %arg7[%run_scoped3A_37, %dma_wait3A_67] : memref<16x2048xf32, #tpu.memory_space<vmem>> -> memref<1x2048xf32, #tpu.memory_space<vmem>>
        %dma_wait3A_69 = tpu.memref_squeeze %dma_wait3A_68 : memref<1x2048xf32, #tpu.memory_space<vmem>> -> memref<2048xf32, #tpu.memory_space<vmem>>
        tpu.wait_dma2 semaphore(%run_scoped3A_47 : memref<!tpu.dma_semaphore, #tpu.memory_space<semaphore_mem>>) src(%dma_wait3A_69 : memref<2048xf32, #tpu.memory_space<vmem>>) dst(%dma_wait3A_66 : memref<2048xf32, #tpu.memory_space<hbm>>)
        tpu.yield
      }) : () -> ()
      %run_scoped3A_39 = arith.constant 12 : i32
      %run_scoped3A_40 = arith.constant 12 : i32
      "tpu.region"() ({
        %run_scoped3A_47 = tpu.sem_alloc : memref<!tpu.dma_semaphore, #tpu.memory_space<semaphore_mem>>
        %dma_start3A = arith.constant 0 : i32
        %dma_start3A_48 = tpu.memref_slice %arg7[%run_scoped3A_39, %dma_start3A] : memref<16x2048xf32, #tpu.memory_space<vmem>> -> memref<1x2048xf32, #tpu.memory_space<vmem>>
        %dma_start3A_49 = tpu.memref_squeeze %dma_start3A_48 : memref<1x2048xf32, #tpu.memory_space<vmem>> -> memref<2048xf32, #tpu.memory_space<vmem>>
        %dma_start3A_50 = arith.constant 0 : i32
        %dma_start3A_51 = tpu.memref_slice %arg4[%run_scoped3A_40, %add3A_9, %dma_start3A_50] : memref<16x2048x2048xf32, #tpu.memory_space<hbm>> -> memref<1x1x2048xf32, #tpu.memory_space<hbm>>
        %dma_start3A_52 = tpu.memref_squeeze %dma_start3A_51 : memref<1x1x2048xf32, #tpu.memory_space<hbm>> -> memref<2048xf32, #tpu.memory_space<hbm>>
        %dma_start3A_53 = arith.constant 0 : i32
        %dma_start3A_54 = tpu.memref_slice %arg4[%run_scoped3A_40, %add3A_9, %dma_start3A_53] : memref<16x2048x2048xf32, #tpu.memory_space<hbm>> -> memref<1x1x2048xf32, #tpu.memory_space<hbm>>
        %dma_start3A_55 = tpu.memref_squeeze %dma_start3A_54 : memref<1x1x2048xf32, #tpu.memory_space<hbm>> -> memref<2048xf32, #tpu.memory_space<hbm>>
        %dma_start3A_56 = arith.constant 0 : i32
        %dma_start3A_57 = tpu.memref_slice %arg7[%run_scoped3A_39, %dma_start3A_56] : memref<16x2048xf32, #tpu.memory_space<vmem>> -> memref<1x2048xf32, #tpu.memory_space<vmem>>
        %dma_start3A_58 = tpu.memref_squeeze %dma_start3A_57 : memref<1x2048xf32, #tpu.memory_space<vmem>> -> memref<2048xf32, #tpu.memory_space<vmem>>
        tpu.enqueue_dma source(%dma_start3A_58 : memref<2048xf32, #tpu.memory_space<vmem>>) target(%dma_start3A_55 : memref<2048xf32, #tpu.memory_space<hbm>>) target_semaphore(%run_scoped3A_47 : memref<!tpu.dma_semaphore, #tpu.memory_space<semaphore_mem>>)
        %dma_wait3A = arith.constant 0 : i32
        %dma_wait3A_59 = tpu.memref_slice %arg7[%run_scoped3A_39, %dma_wait3A] : memref<16x2048xf32, #tpu.memory_space<vmem>> -> memref<1x2048xf32, #tpu.memory_space<vmem>>
        %dma_wait3A_60 = tpu.memref_squeeze %dma_wait3A_59 : memref<1x2048xf32, #tpu.memory_space<vmem>> -> memref<2048xf32, #tpu.memory_space<vmem>>
        %dma_wait3A_61 = arith.constant 0 : i32
        %dma_wait3A_62 = tpu.memref_slice %arg4[%run_scoped3A_40, %add3A_9, %dma_wait3A_61] : memref<16x2048x2048xf32, #tpu.memory_space<hbm>> -> memref<1x1x2048xf32, #tpu.memory_space<hbm>>
        %dma_wait3A_63 = tpu.memref_squeeze %dma_wait3A_62 : memref<1x1x2048xf32, #tpu.memory_space<hbm>> -> memref<2048xf32, #tpu.memory_space<hbm>>
        %dma_wait3A_64 = arith.constant 0 : i32
        %dma_wait3A_65 = tpu.memref_slice %arg4[%run_scoped3A_40, %add3A_9, %dma_wait3A_64] : memref<16x2048x2048xf32, #tpu.memory_space<hbm>> -> memref<1x1x2048xf32, #tpu.memory_space<hbm>>
        %dma_wait3A_66 = tpu.memref_squeeze %dma_wait3A_65 : memref<1x1x2048xf32, #tpu.memory_space<hbm>> -> memref<2048xf32, #tpu.memory_space<hbm>>
        %dma_wait3A_67 = arith.constant 0 : i32
        %dma_wait3A_68 = tpu.memref_slice %arg7[%run_scoped3A_39, %dma_wait3A_67] : memref<16x2048xf32, #tpu.memory_space<vmem>> -> memref<1x2048xf32, #tpu.memory_space<vmem>>
        %dma_wait3A_69 = tpu.memref_squeeze %dma_wait3A_68 : memref<1x2048xf32, #tpu.memory_space<vmem>> -> memref<2048xf32, #tpu.memory_space<vmem>>
        tpu.wait_dma2 semaphore(%run_scoped3A_47 : memref<!tpu.dma_semaphore, #tpu.memory_space<semaphore_mem>>) src(%dma_wait3A_69 : memref<2048xf32, #tpu.memory_space<vmem>>) dst(%dma_wait3A_66 : memref<2048xf32, #tpu.memory_space<hbm>>)
        tpu.yield
      }) : () -> ()
      %run_scoped3A_41 = arith.constant 13 : i32
      %run_scoped3A_42 = arith.constant 13 : i32
      "tpu.region"() ({
        %run_scoped3A_47 = tpu.sem_alloc : memref<!tpu.dma_semaphore, #tpu.memory_space<semaphore_mem>>
        %dma_start3A = arith.constant 0 : i32
        %dma_start3A_48 = tpu.memref_slice %arg7[%run_scoped3A_41, %dma_start3A] : memref<16x2048xf32, #tpu.memory_space<vmem>> -> memref<1x2048xf32, #tpu.memory_space<vmem>>
        %dma_start3A_49 = tpu.memref_squeeze %dma_start3A_48 : memref<1x2048xf32, #tpu.memory_space<vmem>> -> memref<2048xf32, #tpu.memory_space<vmem>>
        %dma_start3A_50 = arith.constant 0 : i32
        %dma_start3A_51 = tpu.memref_slice %arg4[%run_scoped3A_42, %add3A_9, %dma_start3A_50] : memref<16x2048x2048xf32, #tpu.memory_space<hbm>> -> memref<1x1x2048xf32, #tpu.memory_space<hbm>>
        %dma_start3A_52 = tpu.memref_squeeze %dma_start3A_51 : memref<1x1x2048xf32, #tpu.memory_space<hbm>> -> memref<2048xf32, #tpu.memory_space<hbm>>
        %dma_start3A_53 = arith.constant 0 : i32
        %dma_start3A_54 = tpu.memref_slice %arg4[%run_scoped3A_42, %add3A_9, %dma_start3A_53] : memref<16x2048x2048xf32, #tpu.memory_space<hbm>> -> memref<1x1x2048xf32, #tpu.memory_space<hbm>>
        %dma_start3A_55 = tpu.memref_squeeze %dma_start3A_54 : memref<1x1x2048xf32, #tpu.memory_space<hbm>> -> memref<2048xf32, #tpu.memory_space<hbm>>
        %dma_start3A_56 = arith.constant 0 : i32
        %dma_start3A_57 = tpu.memref_slice %arg7[%run_scoped3A_41, %dma_start3A_56] : memref<16x2048xf32, #tpu.memory_space<vmem>> -> memref<1x2048xf32, #tpu.memory_space<vmem>>
        %dma_start3A_58 = tpu.memref_squeeze %dma_start3A_57 : memref<1x2048xf32, #tpu.memory_space<vmem>> -> memref<2048xf32, #tpu.memory_space<vmem>>
        tpu.enqueue_dma source(%dma_start3A_58 : memref<2048xf32, #tpu.memory_space<vmem>>) target(%dma_start3A_55 : memref<2048xf32, #tpu.memory_space<hbm>>) target_semaphore(%run_scoped3A_47 : memref<!tpu.dma_semaphore, #tpu.memory_space<semaphore_mem>>)
        %dma_wait3A = arith.constant 0 : i32
        %dma_wait3A_59 = tpu.memref_slice %arg7[%run_scoped3A_41, %dma_wait3A] : memref<16x2048xf32, #tpu.memory_space<vmem>> -> memref<1x2048xf32, #tpu.memory_space<vmem>>
        %dma_wait3A_60 = tpu.memref_squeeze %dma_wait3A_59 : memref<1x2048xf32, #tpu.memory_space<vmem>> -> memref<2048xf32, #tpu.memory_space<vmem>>
        %dma_wait3A_61 = arith.constant 0 : i32
        %dma_wait3A_62 = tpu.memref_slice %arg4[%run_scoped3A_42, %add3A_9, %dma_wait3A_61] : memref<16x2048x2048xf32, #tpu.memory_space<hbm>> -> memref<1x1x2048xf32, #tpu.memory_space<hbm>>
        %dma_wait3A_63 = tpu.memref_squeeze %dma_wait3A_62 : memref<1x1x2048xf32, #tpu.memory_space<hbm>> -> memref<2048xf32, #tpu.memory_space<hbm>>
        %dma_wait3A_64 = arith.constant 0 : i32
        %dma_wait3A_65 = tpu.memref_slice %arg4[%run_scoped3A_42, %add3A_9, %dma_wait3A_64] : memref<16x2048x2048xf32, #tpu.memory_space<hbm>> -> memref<1x1x2048xf32, #tpu.memory_space<hbm>>
        %dma_wait3A_66 = tpu.memref_squeeze %dma_wait3A_65 : memref<1x1x2048xf32, #tpu.memory_space<hbm>> -> memref<2048xf32, #tpu.memory_space<hbm>>
        %dma_wait3A_67 = arith.constant 0 : i32
        %dma_wait3A_68 = tpu.memref_slice %arg7[%run_scoped3A_41, %dma_wait3A_67] : memref<16x2048xf32, #tpu.memory_space<vmem>> -> memref<1x2048xf32, #tpu.memory_space<vmem>>
        %dma_wait3A_69 = tpu.memref_squeeze %dma_wait3A_68 : memref<1x2048xf32, #tpu.memory_space<vmem>> -> memref<2048xf32, #tpu.memory_space<vmem>>
        tpu.wait_dma2 semaphore(%run_scoped3A_47 : memref<!tpu.dma_semaphore, #tpu.memory_space<semaphore_mem>>) src(%dma_wait3A_69 : memref<2048xf32, #tpu.memory_space<vmem>>) dst(%dma_wait3A_66 : memref<2048xf32, #tpu.memory_space<hbm>>)
        tpu.yield
      }) : () -> ()
      %run_scoped3A_43 = arith.constant 14 : i32
      %run_scoped3A_44 = arith.constant 14 : i32
      "tpu.region"() ({
        %run_scoped3A_47 = tpu.sem_alloc : memref<!tpu.dma_semaphore, #tpu.memory_space<semaphore_mem>>
        %dma_start3A = arith.constant 0 : i32
        %dma_start3A_48 = tpu.memref_slice %arg7[%run_scoped3A_43, %dma_start3A] : memref<16x2048xf32, #tpu.memory_space<vmem>> -> memref<1x2048xf32, #tpu.memory_space<vmem>>
        %dma_start3A_49 = tpu.memref_squeeze %dma_start3A_48 : memref<1x2048xf32, #tpu.memory_space<vmem>> -> memref<2048xf32, #tpu.memory_space<vmem>>
        %dma_start3A_50 = arith.constant 0 : i32
        %dma_start3A_51 = tpu.memref_slice %arg4[%run_scoped3A_44, %add3A_9, %dma_start3A_50] : memref<16x2048x2048xf32, #tpu.memory_space<hbm>> -> memref<1x1x2048xf32, #tpu.memory_space<hbm>>
        %dma_start3A_52 = tpu.memref_squeeze %dma_start3A_51 : memref<1x1x2048xf32, #tpu.memory_space<hbm>> -> memref<2048xf32, #tpu.memory_space<hbm>>
        %dma_start3A_53 = arith.constant 0 : i32
        %dma_start3A_54 = tpu.memref_slice %arg4[%run_scoped3A_44, %add3A_9, %dma_start3A_53] : memref<16x2048x2048xf32, #tpu.memory_space<hbm>> -> memref<1x1x2048xf32, #tpu.memory_space<hbm>>
        %dma_start3A_55 = tpu.memref_squeeze %dma_start3A_54 : memref<1x1x2048xf32, #tpu.memory_space<hbm>> -> memref<2048xf32, #tpu.memory_space<hbm>>
        %dma_start3A_56 = arith.constant 0 : i32
        %dma_start3A_57 = tpu.memref_slice %arg7[%run_scoped3A_43, %dma_start3A_56] : memref<16x2048xf32, #tpu.memory_space<vmem>> -> memref<1x2048xf32, #tpu.memory_space<vmem>>
        %dma_start3A_58 = tpu.memref_squeeze %dma_start3A_57 : memref<1x2048xf32, #tpu.memory_space<vmem>> -> memref<2048xf32, #tpu.memory_space<vmem>>
        tpu.enqueue_dma source(%dma_start3A_58 : memref<2048xf32, #tpu.memory_space<vmem>>) target(%dma_start3A_55 : memref<2048xf32, #tpu.memory_space<hbm>>) target_semaphore(%run_scoped3A_47 : memref<!tpu.dma_semaphore, #tpu.memory_space<semaphore_mem>>)
        %dma_wait3A = arith.constant 0 : i32
        %dma_wait3A_59 = tpu.memref_slice %arg7[%run_scoped3A_43, %dma_wait3A] : memref<16x2048xf32, #tpu.memory_space<vmem>> -> memref<1x2048xf32, #tpu.memory_space<vmem>>
        %dma_wait3A_60 = tpu.memref_squeeze %dma_wait3A_59 : memref<1x2048xf32, #tpu.memory_space<vmem>> -> memref<2048xf32, #tpu.memory_space<vmem>>
        %dma_wait3A_61 = arith.constant 0 : i32
        %dma_wait3A_62 = tpu.memref_slice %arg4[%run_scoped3A_44, %add3A_9, %dma_wait3A_61] : memref<16x2048x2048xf32, #tpu.memory_space<hbm>> -> memref<1x1x2048xf32, #tpu.memory_space<hbm>>
        %dma_wait3A_63 = tpu.memref_squeeze %dma_wait3A_62 : memref<1x1x2048xf32, #tpu.memory_space<hbm>> -> memref<2048xf32, #tpu.memory_space<hbm>>
        %dma_wait3A_64 = arith.constant 0 : i32
        %dma_wait3A_65 = tpu.memref_slice %arg4[%run_scoped3A_44, %add3A_9, %dma_wait3A_64] : memref<16x2048x2048xf32, #tpu.memory_space<hbm>> -> memref<1x1x2048xf32, #tpu.memory_space<hbm>>
        %dma_wait3A_66 = tpu.memref_squeeze %dma_wait3A_65 : memref<1x1x2048xf32, #tpu.memory_space<hbm>> -> memref<2048xf32, #tpu.memory_space<hbm>>
        %dma_wait3A_67 = arith.constant 0 : i32
        %dma_wait3A_68 = tpu.memref_slice %arg7[%run_scoped3A_43, %dma_wait3A_67] : memref<16x2048xf32, #tpu.memory_space<vmem>> -> memref<1x2048xf32, #tpu.memory_space<vmem>>
        %dma_wait3A_69 = tpu.memref_squeeze %dma_wait3A_68 : memref<1x2048xf32, #tpu.memory_space<vmem>> -> memref<2048xf32, #tpu.memory_space<vmem>>
        tpu.wait_dma2 semaphore(%run_scoped3A_47 : memref<!tpu.dma_semaphore, #tpu.memory_space<semaphore_mem>>) src(%dma_wait3A_69 : memref<2048xf32, #tpu.memory_space<vmem>>) dst(%dma_wait3A_66 : memref<2048xf32, #tpu.memory_space<hbm>>)
        tpu.yield
      }) : () -> ()
      %run_scoped3A_45 = arith.constant 15 : i32
      %run_scoped3A_46 = arith.constant 15 : i32
      "tpu.region"() ({
        %run_scoped3A_47 = tpu.sem_alloc : memref<!tpu.dma_semaphore, #tpu.memory_space<semaphore_mem>>
        %dma_start3A = arith.constant 0 : i32
        %dma_start3A_48 = tpu.memref_slice %arg7[%run_scoped3A_45, %dma_start3A] : memref<16x2048xf32, #tpu.memory_space<vmem>> -> memref<1x2048xf32, #tpu.memory_space<vmem>>
        %dma_start3A_49 = tpu.memref_squeeze %dma_start3A_48 : memref<1x2048xf32, #tpu.memory_space<vmem>> -> memref<2048xf32, #tpu.memory_space<vmem>>
        %dma_start3A_50 = arith.constant 0 : i32
        %dma_start3A_51 = tpu.memref_slice %arg4[%run_scoped3A_46, %add3A_9, %dma_start3A_50] : memref<16x2048x2048xf32, #tpu.memory_space<hbm>> -> memref<1x1x2048xf32, #tpu.memory_space<hbm>>
        %dma_start3A_52 = tpu.memref_squeeze %dma_start3A_51 : memref<1x1x2048xf32, #tpu.memory_space<hbm>> -> memref<2048xf32, #tpu.memory_space<hbm>>
        %dma_start3A_53 = arith.constant 0 : i32
        %dma_start3A_54 = tpu.memref_slice %arg4[%run_scoped3A_46, %add3A_9, %dma_start3A_53] : memref<16x2048x2048xf32, #tpu.memory_space<hbm>> -> memref<1x1x2048xf32, #tpu.memory_space<hbm>>
        %dma_start3A_55 = tpu.memref_squeeze %dma_start3A_54 : memref<1x1x2048xf32, #tpu.memory_space<hbm>> -> memref<2048xf32, #tpu.memory_space<hbm>>
        %dma_start3A_56 = arith.constant 0 : i32
        %dma_start3A_57 = tpu.memref_slice %arg7[%run_scoped3A_45, %dma_start3A_56] : memref<16x2048xf32, #tpu.memory_space<vmem>> -> memref<1x2048xf32, #tpu.memory_space<vmem>>
        %dma_start3A_58 = tpu.memref_squeeze %dma_start3A_57 : memref<1x2048xf32, #tpu.memory_space<vmem>> -> memref<2048xf32, #tpu.memory_space<vmem>>
        tpu.enqueue_dma source(%dma_start3A_58 : memref<2048xf32, #tpu.memory_space<vmem>>) target(%dma_start3A_55 : memref<2048xf32, #tpu.memory_space<hbm>>) target_semaphore(%run_scoped3A_47 : memref<!tpu.dma_semaphore, #tpu.memory_space<semaphore_mem>>)
        %dma_wait3A = arith.constant 0 : i32
        %dma_wait3A_59 = tpu.memref_slice %arg7[%run_scoped3A_45, %dma_wait3A] : memref<16x2048xf32, #tpu.memory_space<vmem>> -> memref<1x2048xf32, #tpu.memory_space<vmem>>
        %dma_wait3A_60 = tpu.memref_squeeze %dma_wait3A_59 : memref<1x2048xf32, #tpu.memory_space<vmem>> -> memref<2048xf32, #tpu.memory_space<vmem>>
        %dma_wait3A_61 = arith.constant 0 : i32
        %dma_wait3A_62 = tpu.memref_slice %arg4[%run_scoped3A_46, %add3A_9, %dma_wait3A_61] : memref<16x2048x2048xf32, #tpu.memory_space<hbm>> -> memref<1x1x2048xf32, #tpu.memory_space<hbm>>
        %dma_wait3A_63 = tpu.memref_squeeze %dma_wait3A_62 : memref<1x1x2048xf32, #tpu.memory_space<hbm>> -> memref<2048xf32, #tpu.memory_space<hbm>>
        %dma_wait3A_64 = arith.constant 0 : i32
        %dma_wait3A_65 = tpu.memref_slice %arg4[%run_scoped3A_46, %add3A_9, %dma_wait3A_64] : memref<16x2048x2048xf32, #tpu.memory_space<hbm>> -> memref<1x1x2048xf32, #tpu.memory_space<hbm>>
        %dma_wait3A_66 = tpu.memref_squeeze %dma_wait3A_65 : memref<1x1x2048xf32, #tpu.memory_space<hbm>> -> memref<2048xf32, #tpu.memory_space<hbm>>
        %dma_wait3A_67 = arith.constant 0 : i32
        %dma_wait3A_68 = tpu.memref_slice %arg7[%run_scoped3A_45, %dma_wait3A_67] : memref<16x2048xf32, #tpu.memory_space<vmem>> -> memref<1x2048xf32, #tpu.memory_space<vmem>>
        %dma_wait3A_69 = tpu.memref_squeeze %dma_wait3A_68 : memref<1x2048xf32, #tpu.memory_space<vmem>> -> memref<2048xf32, #tpu.memory_space<vmem>>
        tpu.wait_dma2 semaphore(%run_scoped3A_47 : memref<!tpu.dma_semaphore, #tpu.memory_space<semaphore_mem>>) src(%dma_wait3A_69 : memref<2048xf32, #tpu.memory_space<vmem>>) dst(%dma_wait3A_66 : memref<2048xf32, #tpu.memory_space<hbm>>)
        tpu.yield
      }) : () -> ()
    }
    %scan3A_7 = arith.constant 64 : i32
    return
  }
}

module attributes {stable_mosaic.version = 14 : i64} {
  func.func @_bins_body(%arg0: i32, %arg1: memref<1x128xf32, #tpu.memory_space<vmem>>, %arg2: memref<1x2048xf32, #tpu.memory_space<vmem>>, %arg3: memref<128x2048xi32, #tpu.memory_space<vmem>>) attributes {dimension_semantics = [#tpu.dimension_semantics<parallel>], iteration_bounds = array<i64: 16>, scalar_prefetch = 0 : i64, scratch_operands = 0 : i64, tpu.core_type = #tpu.core_type<tc>, window_params = [{transform_indices = @transform_0, window_bounds = array<i64: 1, 128>}, {pipeline_mode = #tpu.pipeline_mode<synchronous>, transform_indices = @transform_1, window_bounds = array<i64: 1, 2048>}, {transform_indices = @transform_2, window_bounds = array<i64: 128, 2048>}]} {
    %get3A = arith.constant 0 : index
    %get3A_0 = arith.constant 0 : index
    %get3A_1 = vector.load %arg1[%get3A, %get3A_0] : memref<1x128xf32, #tpu.memory_space<vmem>>, vector<1x128xf32>
    %get3A_2 = vector.shape_cast %get3A_1 : vector<1x128xf32> to vector<128xf32>
    %get3A_3 = arith.constant 0 : index
    %get3A_4 = arith.constant 0 : index
    %get3A_5 = vector.load %arg2[%get3A_3, %get3A_4] : memref<1x2048xf32, #tpu.memory_space<vmem>>, vector<1x2048xf32>
    %get3A_6 = vector.shape_cast %get3A_5 : vector<1x2048xf32> to vector<2048xf32>
    %broadcast_in_dim3A = vector.shape_cast %get3A_2 : vector<128xf32> to vector<128x1xf32>
    %broadcast_in_dim3A_7 = vector.shape_cast %get3A_6 : vector<2048xf32> to vector<1x2048xf32>
    %sub3A = vector.broadcast %broadcast_in_dim3A : vector<128x1xf32> to vector<128x2048xf32>
    %sub3A_8 = vector.broadcast %broadcast_in_dim3A_7 : vector<1x2048xf32> to vector<128x2048xf32>
    %sub3A_9 = arith.subf %sub3A, %sub3A_8 : vector<128x2048xf32>
    %abs3A = math.absf %sub3A_9 : vector<128x2048xf32>
    %jit3A = arith.constant 0.000000e+00 : f32
    %jit3A_10 = arith.constant 1.000000e+06 : f32
    %max3A = vector.broadcast %jit3A : f32 to vector<128x2048xf32>
    %max3A_11 = arith.maximumf %max3A, %abs3A : vector<128x2048xf32>
    %min3A = vector.broadcast %jit3A_10 : f32 to vector<128x2048xf32>
    %min3A_12 = arith.minimumf %min3A, %max3A_11 : vector<128x2048xf32>
    %log1p3A = math.log1p %min3A_12 : vector<128x2048xf32>
    %log1p3A_13 = arith.constant 1.000000e+06 : f32
    %log1p3A_14 = math.log1p %log1p3A_13 : f32
    %div3A = vector.broadcast %log1p3A_14 : f32 to vector<128x2048xf32>
    %div3A_15 = arith.divf %log1p3A, %div3A : vector<128x2048xf32>
    %mul3A = arith.constant 3.100000e+01 : f32
    %mul3A_16 = vector.broadcast %mul3A : f32 to vector<128x2048xf32>
    %mul3A_17 = arith.mulf %div3A_15, %mul3A_16 : vector<128x2048xf32>
    %convert_element_type3A = arith.fptosi %mul3A_17 : vector<128x2048xf32> to vector<128x2048xi32>
    %swap3A = arith.constant 0 : index
    %swap3A_18 = arith.constant 0 : index
    %swap3A_19 = vector.load %arg3[%swap3A, %swap3A_18] : memref<128x2048xi32, #tpu.memory_space<vmem>>, vector<128x2048xi32>
    tpu.vector_store %arg3[%swap3A, %swap3A_18], %convert_element_type3A {strides = array<i32>} : memref<128x2048xi32, #tpu.memory_space<vmem>>, vector<128x2048xi32>,
    return
  }
  func.func @transform_0(%arg0: i32) -> (i32, i32) {
    %c0_i32 = arith.constant 0 : i32
    %c0_i32_0 = arith.constant 0 : i32
    return %c0_i32, %arg0 : i32, i32
  }
  func.func @transform_1(%arg0: i32) -> (i32, i32) {
    %c0_i32 = arith.constant 0 : i32
    %c0_i32_0 = arith.constant 0 : i32
    %c0_i32_1 = arith.constant 0 : i32
    return %c0_i32, %c0_i32_0 : i32, i32
  }
  func.func @transform_2(%arg0: i32) -> (i32, i32) {
    %c0_i32 = arith.constant 0 : i32
    %c0_i32_0 = arith.constant 0 : i32
    return %arg0, %c0_i32 : i32, i32
  }
}

</mosaic_0001>

<sc_bundles>
// kernel: kernel.4.cloned.1.call-start
scs
__scs_entry_jumppad:
0x0: {  	(pc) =	sbr.rel $0x88, $3  }
0x1: {  	(tag) =	ssettag $0x0;
	lr =	simm.s32 $0x1  }
0x2: {  	[smem:$0x3F9F] =	sst lr;
	_ =	strace $0xD0000000  }
0x3: {  	_ = 	snop  }
0x4: {  	_ = 	snop  }
0x5: {  	_ = 	snop  }
0x6: {  	_ = 	snop  }
0x7: {  	_ = 	snop  }
__scs_overlays_trampoline_lowered:
0x8: {  	[smem:$0x3FAE] =	sst s0  }
0x9: {  	[smem:$0x3FAF] =	sst s1  }
0xa: {  	[smem:$0x3FB0] =	sst s2  }
0xb: {  	[smem:$0x3FB1] =	sst s3  }
0xc: {  	[smem:$0x3FB2] =	sst s4  }
0xd: {  	[smem:$0x3FB3] =	sst s5  }
0xe: {  	[smem:$0x3FB4] =	sst s6  }
0xf: {  	[smem:$0x3FB5] =	sst s7  }
0x10: {  	[smem:$0x3FB6] =	sst s8  }
0x11: {  	[smem:$0x3FB7] =	sst s9;
	s0 =	simm.s32 @!p0 $0x0  }
0x12: {  	s1 =	sld [smem:$0x3F9D];
	s0 =	simm.s32 @p0 $0x1  }
0x13: {  	[smem:$0x3FB8] =	sst s0;
	s0 =	simm.s32 @!p1 $0x0  }
0x14: {  	s2 =	sld [smem:$0x3F9C];
	s0 =	simm.s32 @p1 $0x1  }
0x15: {  	[smem:$0x3FB9] =	sst s0;
	s0 =	simm.s32 @!p2 $0x0  }
0x16: {  	s3 =	sld [smem:$0x3FDB];
	s0 =	simm.s32 @p2 $0x1  }
0x17: {  	s4 =	simm.s32 $0x1BF5;
	[smem:$0x3FBB] =	sst s0  }
0x18: {  	s0 =	sld [smem:$0x3F9E];
	_ =	swait.ge [sflag:s4], $0x0  }
0x19: {  	s7 =	sld [smem:$0x3F9F]  }
0x1a: {  	s8 =	sadd.s32 $0xFFFFE003, lr  }
0x1b: {  	s9 =	sadd.s32 $0xFFFFFEF7, lr;
	s5 =	simm.s32 $0xFFFFFFFF;
	p2 =	slt.u32 s8, $0xFFFFF086  }
0x1c: {  	p1 =	slt.u32 s9, $0xF7A;
	s5 =	simm.s32 @!p2 $0x0  }
0x1d: {  	s5 =	simm.s32 @p1 $0x1;
	p0 =	seq.s32 s7, s2  }
0x1e: {  	s7 =	smul.u32 @!p0 $0xF7A, s2;
	p2 =	seq.s32 @!p0 s5, $0x0  }
0x1f: {  	s9 =	smul.u32 $0xF7A, s1;
	s8 =	simm.s32 @!p0 $0x1BF5;
	p2 =	por !p2, p0  }
0x20: {  	[sflag:s8] =	ssyncset.s32 @!p0 $0xFFFFF086;
	s6 =	sadd.s32 @!p0 s3, s7;
	s7 =	simm.s32 @!p0 $0x108  }
0x21: {  	s3 =	sadd.s32 s3, s9;
	s6 =	sadd.s32 @!p0 $0x88, s6;
	s7 =	simm.s32 @p2 $0x1082  }
0x22: {  	[simem:s7], [sflag:s8] =	dma.local @!p0 [hbm:s6], $0xF7A  }
0x23: {  	s9 =	sor.u32 $0xD0000000, s2;
	s6 =	simm.s32 $0x108;
	_ =	swait.ge @!p0 [sflag:s8], $0x0  }
0x24: {  	s3 =	sadd.s32 $0x88, s3;
	s6 =	simm.s32 @!p1 $0x1082;
	[sflag:s4] =	ssyncset.s32 $0xFFFFF086  }
0x25: {  	[simem:s6], [sflag:s4] =	dma.local [hbm:s3], $0xF7A  }
0x26: {  	[smem:$0x3F9F] =	sst s1;
	(tag) =	ssettag s2;
	_ =	strace s9  }
0x27: {  	s1 =	sld [smem:$0x3FAF]  }
0x28: {  	s2 =	sld [smem:$0x3FB0]  }
0x29: {  	s4 =	sld [smem:$0x3FB2]  }
0x2a: {  	p0 =	seq.s32 s5, $0x0;
	s5 =	sld [smem:$0x3FB3]  }
0x2b: {  	s6 =	sld [smem:$0x3FB4]  }
0x2c: {  	s7 =	sld [smem:$0x3FB5]  }
0x2d: {  	s3 =	simm.s32 $0x108;
	s8 =	sld [smem:$0x3FB6]  }
0x2e: {  	s3 =	simm.s32 @!p0 $0x1082;
	s9 =	sld [smem:$0x3FB7]  }
0x2f: {  	lr =	sadd.s32 s0, s3;
	s0 =	sld [smem:$0x3FAE]  }
0x30: {  	s3 =	sld [smem:$0x3FB1]  }
0x31: {  	[smem:$0x3FBA] =	sst s10  }
0x32: {  	s10 =	sld [smem:$0x3FB8];
	_ =	sdelay $0x3  }
0x33: {  	p0 =	seq.s32 s10, $0x1;
	s10 =	sld [smem:$0x3FBA];
	_ =	sdelay $0x3  }
0x34: {  	[smem:$0x3FBA] =	sst s10  }
0x35: {  	s10 =	sld [smem:$0x3FB9];
	_ =	sdelay $0x3  }
0x36: {  	p1 =	seq.s32 s10, $0x1;
	s10 =	sld [smem:$0x3FBA];
	_ =	sdelay $0x3  }
0x37: {  	[smem:$0x3FBA] =	sst s10  }
0x38: {  	s10 =	sld [smem:$0x3FBB]  }
0x39: {  	_ = 	snop;
	(pc) =	sbr.ind lr, $3  }
0x3a: {  	_ = 	snop  }
0x3b: {  	_ = 	snop  }
0x3c: {  	p2 =	seq.s32 s10, $0x1;
	s10 =	sld [smem:$0x3FBA]  }
0x3d: {  	_ =	shalt  }
0x3e: {  	_ =	shalt  }
0x3f: {  	_ =	shalt  }
0x40: {  	_ =	shalt  }
0x41: {  	_ =	shalt  }
0x42: {  	_ =	shalt  }
0x43: {  	_ =	shalt  }
0x44: {  	_ =	shalt  }
0x45: {  	_ =	shalt  }
0x46: {  	_ =	shalt  }
0x47: {  	_ =	shalt  }
0x48: {  	_ =	shalt  }
0x49: {  	_ =	shalt  }
0x4a: {  	_ =	shalt  }
0x4b: {  	_ =	shalt  }
0x4c: {  	_ =	shalt  }
0x4d: {  	_ =	shalt  }
0x4e: {  	_ =	shalt  }
0x4f: {  	_ =	shalt  }
0x50: {  	_ =	shalt  }
0x51: {  	_ =	shalt  }
0x52: {  	_ =	shalt  }
0x53: {  	_ =	shalt  }
0x54: {  	_ =	shalt  }
0x55: {  	_ =	shalt  }
0x56: {  	_ =	shalt  }
0x57: {  	_ =	shalt  }
0x58: {  	_ =	shalt  }
0x59: {  	_ =	shalt  }
0x5a: {  	_ =	shalt  }
0x5b: {  	_ =	shalt  }
0x5c: {  	_ =	shalt  }
0x5d: {  	_ =	shalt  }
0x5e: {  	_ =	shalt  }
0x5f: {  	_ =	shalt  }
0x60: {  	_ =	shalt  }
0x61: {  	_ =	shalt  }
0x62: {  	_ =	shalt  }
0x63: {  	_ =	shalt  }
0x64: {  	_ =	shalt  }
0x65: {  	_ =	shalt  }
0x66: {  	_ =	shalt  }
0x67: {  	_ =	shalt  }
0x68: {  	_ =	shalt  }
0x69: {  	_ =	shalt  }
0x6a: {  	_ =	shalt  }
0x6b: {  	_ =	shalt  }
0x6c: {  	_ =	shalt  }
0x6d: {  	_ =	shalt  }
0x6e: {  	_ =	shalt  }
0x6f: {  	_ =	shalt  }
0x70: {  	_ =	shalt  }
0x71: {  	_ =	shalt  }
0x72: {  	_ =	shalt  }
0x73: {  	_ =	shalt  }
0x74: {  	_ =	shalt  }
0x75: {  	_ =	shalt  }
0x76: {  	_ =	shalt  }
0x77: {  	_ =	shalt  }
0x78: {  	_ =	shalt  }
0x79: {  	_ =	shalt  }
0x7a: {  	_ =	shalt  }
0x7b: {  	_ =	shalt  }
0x7c: {  	_ =	shalt  }
0x7d: {  	_ =	shalt  }
0x7e: {  	_ =	shalt  }
0x7f: {  	_ =	shalt  }
0x80: {  	_ =	shalt  }
0x81: {  	_ =	shalt  }
0x82: {  	_ =	shalt  }
0x83: {  	_ =	shalt  }
0x84: {  	_ =	shalt  }
0x85: {  	_ =	shalt  }
0x86: {  	_ =	shalt  }
0x87: {  	_ =	shalt  }
.Lfunc_end0:
.L_simem_size_0:
called_computation_lowered:
.L_overlay_start_0:
0x88: {  	s2 =	sld [smem:$0x3FD9]  }
0x89: {  	s3 =	sld [smem:$0x3FFE];
	_ =	sdelay $0x1  }
0x8a: {  	s1 =	srdreg.scid  }
0x8b: {  	s0 =	sand.u32 $0x1, s1  }
0x8c: {  	s17 =	sshll.u32 s0, $0xA;
	s2 =	sadd.s32 s3, s2  }
0x8d: {  	s2 =	sadd.s32 s2, s17  }
0x8e: {  	[smem:$0x3FC6] =	sst s2  }
0x8f: {  	_ = 	snop  }
0x90: {  	s2 =	sld [smem:$0x3FD0];
	(tm) =	ssettm $0x1  }
0x91: {  	s18 =	sld [smem:$0x3FFB];
	_ =	sdelay $0x3  }
0x92: {  	_ =	strace s18  }
0x93: {  	s3 =	sld [smem:$0x3FFC];
	_ =	sdelay $0x3  }
0x94: {  	_ =	strace s3  }
0x95: {  	s3 =	sld [smem:$0x3FFD];
	_ =	sdelay $0x3  }
0x96: {  	_ =	strace s3  }
0x97: {  	_ =	strace $0x8FFFFFFF  }
0x98: {  	s19 =	sld [smem:$0x3FDB];
	_ =	sdelay $0x1  }
0x99: {  	s4 =	simm.s32 $_scs_section_size  }
0x9a: {  	s5 =	simm.s32 $_size__tile_overlayer_lowered;
	s6 =	simm.s32 $_tile_overlayer_lowered  }
0x9b: {  	s22 =	simm.s32 $0x1BFF;
	s21 =	sshll.u32 s6, $0x1;
	s3 =	sadd.s32 s4, s19  }
0x9c: {  	s7 =	simm.s32 $0x0;
	s20 =	sshll.u32 s5, $0x1;
	s5 =	sadd.s32 s21, s3  }
0x9d: {  	[timem:s7], [sflag:s22] =	dma.local [hbm:s5], s20  }
0x9e: {  	_ =	swait.ge [sflag:s22], s20  }
0x9f: {  	s4 =	ssub.s32 $0x0, s20;
	[sflag:s22] =	ssyncset.done $0x0  }
0xa0: {  	[sflag:s22] =	ssyncadd.s32 s4;
	_ =	sdelay $0x1  }
0xa1: {  	s23 =	simm.s32 $0x1B8B  }
0xa2: {  	_ =	swait.ge [sflag:s23], $0x1  }
0xa3: {  	[sflag:s23] =	ssyncset.done $0x0  }
0xa4: {  	s25 =	simm.s32 $0x1B8E;
	s24 =	sld [smem:$0x3FFE];
	[sflag:s23] =	ssyncadd.s32 $0xFFFFFFFF  }
0xa5: {  	s26 =	simm.s32 $execute0_lowered;
	[smem:$0x3FD2] =	sst s25  }
0xa6: {  	s5 =	sshll.u32 s26, $0x1;
	_ =	strace $0x80000046;
	[dreg:$0x1] =	wrdreg $0xFFFFFFFF  }
0xa7: {  	s28 =	simm.s32 $_size_execute0_lowered;
	s3 =	sadd.s32 s3, s5;
	[dreg:$0x0] =	wrdreg $0x0  }
0xa8: {  	s5 =	sshll.u32 s28, $0x1;
	[dreg:$0x2] =	wrdreg s3  }
0xa9: {  	[dreg:$0x3] =	wrdreg s5  }
0xaa: {  	[dreg:$0x4] =	wrdreg $0xC0  }
0xab: {  	_ =	task [dreg:s7], $0x5FFFF  }
0xac: {  	[dreg:$0x1] =	wrdreg $0xFFFFFFFF  }
0xad: {  	[dreg:$0x0] =	wrdreg $0x60  }
0xae: {  	[dreg:$0x2] =	wrdreg s24  }
0xaf: {  	[dreg:$0x3] =	wrdreg s2  }
0xb0: {  	[dreg:$0x4] =	wrdreg $0x9  }
0xb1: {  	_ =	task.clear_ibuf [dreg:s7], $0x5FFFF;
	_ =	strace $0x90000046  }
0xb2: {  	s29 =	simm.s32 $0x9;
	_ =	strace $0x80000048  }
0xb3: {  	_ =	swait.ge [sflag:s29], $0x1  }
0xb4: {  	[sflag:s29] =	ssyncadd.s32 $0xFFFFFFFF  }
0xb5: {  	_ =	strace $0x90000048  }
0xb6: {  	_ =	sfence  }
0xb7: {  	s30 =	sld [smem:$0x0];
	_ =	sdelay $0x2  }
0xb8: {  	s31 =	sshll.u32 s1, $0xD;
	s1 =	sshrl.u32 s1, $0x2  }
0xb9: {  	s3 =	sand.u32 $0x4000, s31;
	s1 =	sadd.s32 s1, s30  }
0xba: {  	s0 =	sor.u32 s3, s0;
	s1 =	sshll.u32 s1, $0x11  }
0xbb: {  	s0 =	sor.u32 s1, s0  }
0xbc: {  	s0 =	sadd.s32 $0x8F2B, s0  }
0xbd: {  	[sflag:s0] =	ssyncadd.remote.s32 $0x1  }
0xbe: {  	_ =	sfence.sel $0xFFFF  }
0xbf: {  	[dreg:$0x0] =	wrdreg $0xFFFFFFFF;
	(pc) =	sbr.abs _section_cstart, $3  }
0xc0: {  	[dreg:$0x1] =	wrdreg $0xFFFFFFFF  }
0xc1: {  	_ =	task.clear_ibuf [dreg:s7], $0x2FFFF;
	_ =	strace $0x9FFFFFFF  }
0xc2: {  	(tm) =	ssettm $0x7FFFFFFF  }
0xc3: {  	_ =	shalt  }
tec
execute0_lowered:
.L_overlay_start_1:
0x0: {  	(tag) =	ssettag $0x1  }
0x1: {  	s0 =	rddreg [dreg:$0x0]  }
0x2: {  	s4 =	rddreg [dreg:$0x1];
	s2 =	simm.s32 $0x0;
	s1 =	srdreg.scid  }
0x3: {  	s5 =	stileid.u32;
	s28 =	simm.s32 $0x200;
	s29 =	simm.s32 $0x280  }
0x4: {  	s30 =	simm.s32 $0x300;
	s31 =	simm.s32 $0x380;
	[smem:$0x7FF] =	sst s2  }
0x5: {  	s1 =	sand.u32 $0x1, s1;
	s3 =	sadd.s32 $0x800, s0;
	s0 =	sadd.s32 $0x80800, s0  }
0x6: {  	s25 =	sshll.u32 s5, $0x7;
	s26 =	sadd.s32 $0x80000, s4;
	s8 =	sadd.s32 $0x100000, s4  }
0x7: {  	s9 =	sadd.s32 $0x180000, s4;
	s10 =	sadd.s32 $0x200000, s4;
	s11 =	sadd.s32 $0x280000, s4  }
0x8: {  	s12 =	sadd.s32 $0x300000, s4;
	s13 =	sadd.s32 $0x380000, s4;
	s14 =	sadd.s32 $0x400000, s4  }
0x9: {  	s15 =	sadd.s32 $0x480000, s4;
	s16 =	sadd.s32 $0x500000, s4;
	s17 =	sadd.s32 $0x580000, s4  }
0xa: {  	s18 =	sadd.s32 $0x600000, s4;
	s19 =	sadd.s32 $0x680000, s4;
	s20 =	sadd.s32 $0x700000, s4  }
0xb: {  	s21 =	sadd.s32 $0x780000, s4;
	_ =	strace $0x80000047;
	[dreg:$0x3] =	wrdreg s3  }
0xc: {  	s23 =	ssub.s32 $0x2, s1;
	[dreg:$0x4] =	wrdreg s0;
	s1 =	sshll.u32 s1, $0x6  }
0xd: {  	[dreg:$0x6] =	wrdreg s26;
	s26 =	simm.s32 $0x180;
	s24 =	sshrl.u32 s23, $0x1  }
0xe: {  	s1 =	sor.u32 s1, s25;
	s25 =	simm.s32 $0x100;
	s0 =	ssub.s32 s23, s24  }
0xf: {  	[dreg:$0x5] =	wrdreg s1;
	s23 =	simm.s32 $0x1;
	s0 =	smax.u32 s0, $0x1  }
0x10: {  	s24 =	simm.s32 $0x80;
	s1 =	simm.s32 $0x0;
	[dreg:$0x7] =	wrdreg s0  }
.LBB2_1:
0x11: {  	[dreg:$0x8] =	wrdreg s1  }
0x12: {  	s0 =	rddreg [dreg:$0x4]  }
0x13: {  	[tilespmem:s2], [sflag:$0x1] =	stream.linear.gather [hbm4b:s0+s2], $0x400, $0x38;
	[tilespmem:$0x8C00] =	vst v63  }
0x14: {  	_ =	swait.ge [sflag:s23], $0x400  }
0x15: {  	[sflag:s23] =	ssyncset.done $0x0  }
0x16: {  	s3 =	simm.s32 $0x0;
	[sflag:s23] =	ssyncadd.s32 $0xFFFFFC00  }
.LBB2_2:
0x17: {  	s0 =	rddreg [dreg:$0x5]  }
0x18: {  	s0 =	sadd.s32 s0, s3  }
0x19: {  	s1 =	sshll.u32 s3, $0x4;
	s0 =	sshll.u32 s0, $0x8  }
0x1a: {  	s1 =	sand.u32 $0x70, s1;
	s0 =	sand.u32 $0x7F800, s0  }
0x1b: {  	s4 =	rddreg [dreg:$0x3];
	s5 =	sor.u32 s1, s0  }
0x1c: {  	s22 =	simm.s32 $0x400;
	s0 =	sadd.s32 s4, s5  }
0x1d: {  	[tilespmem:s22], [sflag:$0x1] =	stream.strided.gather [hbm4b:s0+s24], $0x800, s22, s24, $0x38;
	[tilespmem:$0x8C00] =	vst v63  }
0x1e: {  	_ =	swait.ge [sflag:s23], $0x800  }
0x1f: {  	[sflag:s23] =	ssyncset.done $0x0  }
0x20: {  	[sflag:s23] =	ssyncadd.s32 $0xFFFFF800  }
0x21: {  	v0 =	vld [tilespmem:s22+$0x0];
	_ =	sdelay $0x7  }
0x22: {  	v1 =	vld.idx.msk [tilespmem:v0+s2+$0x0], $0xffff;
	_ =	sdelay $0x2  }
0x23: {  	s1 =	simm.s32 $0x0  }
0x24: {  	s6 =	sand.u32 $0x70, s1;
	s4 =	sand.u32 $0x3C00, s1  }
0x25: {  	s0 =	sor.u32 s6, s4;
	v2 =	vshll.u32 v1, $0x10  }
0x26: {  	v1 =	vand.u32 $0xFFFF0000, v1;
	[tilespmem:s0+$0xC00] =	vst v2  }
0x27: {  	[tilespmem:s0+$0xC80] =	vst v1  }
0x28: {  	v1 =	vld.idx.msk [tilespmem:v0+s24+$0x0], $0xffff;
	_ =	sdelay $0x4  }
0x29: {  	v2 =	vshll.u32 v1, $0x10  }
0x2a: {  	v1 =	vand.u32 $0xFFFF0000, v1;
	[tilespmem:s0+$0xD00] =	vst v2  }
0x2b: {  	[tilespmem:s0+$0xD80] =	vst v1  }
0x2c: {  	v1 =	vld.idx.msk [tilespmem:v0+s25+$0x0], $0xffff;
	_ =	sdelay $0x4  }
0x2d: {  	v2 =	vshll.u32 v1, $0x10  }
0x2e: {  	v1 =	vand.u32 $0xFFFF0000, v1;
	[tilespmem:s0+$0xE00] =	vst v2  }
0x2f: {  	[tilespmem:s0+$0xE80] =	vst v1  }
0x30: {  	v1 =	vld.idx.msk [tilespmem:v0+s26+$0x0], $0xffff;
	_ =	sdelay $0x2  }
0x31: {  	s7 =	sand.u32 $0x7, s1  }
0x32: {  	s4 =	sshll.u32 s7, $0x4  }
0x33: {  	s4 =	sadd.s32 $0x0, s4;
	v2 =	vshll.u32 v1, $0x10  }
0x34: {  	s4 =	sor.u32 $0x380, s4;
	v1 =	vand.u32 $0xFFFF0000, v1;
	[tilespmem:s0+$0xF00] =	vst v2  }
0x35: {  	[tilespmem:s4+$0xC00] =	vst v1  }
0x36: {  	v1 =	vld.idx.msk [tilespmem:v0+s28+$0x0], $0xffff;
	_ =	sdelay $0x4  }
0x37: {  	v2 =	vshll.u32 v1, $0x10  }
0x38: {  	v1 =	vand.u32 $0xFFFF0000, v1;
	[tilespmem:s0+$0x4C00] =	vst v2  }
0x39: {  	[tilespmem:s0+$0x4C80] =	vst v1  }
0x3a: {  	v1 =	vld.idx.msk [tilespmem:v0+s29+$0x0], $0xffff;
	_ =	sdelay $0x4  }
0x3b: {  	v2 =	vshll.u32 v1, $0x10  }
0x3c: {  	v1 =	vand.u32 $0xFFFF0000, v1;
	[tilespmem:s0+$0x4D00] =	vst v2  }
0x3d: {  	[tilespmem:s0+$0x4D80] =	vst v1  }
0x3e: {  	v1 =	vld.idx.msk [tilespmem:v0+s30+$0x0], $0xffff;
	_ =	sdelay $0x4  }
0x3f: {  	v2 =	vshll.u32 v1, $0x10  }
0x40: {  	v1 =	vand.u32 $0xFFFF0000, v1;
	[tilespmem:s0+$0x4E00] =	vst v2  }
0x41: {  	[tilespmem:s0+$0x4E80] =	vst v1  }
0x42: {  	s6 =	simm.s32 $0x0;
	s4 =	simm.s32 $0x10;
	v0 =	vld.idx.msk [tilespmem:v0+s31+$0x0], $0xffff  }
.LBB2_3:
0x43: {  	s1 =	sadd.s32 $0x80, s1;
	s6 =	sadd.s32 $0x1, s6;
	s22 =	sadd.s32 $0x10, s22  }
0x44: {  	p0 =	sne.s32 s4, $0x7F0;
	s7 =	smov.u32 s4;
	s4 =	sadd.s32 $0x10, s4  }
0x45: {  	_ =	sdelay $0x2  }
0x46: {  	v1 =	vshll.u32 v0, $0x10;
	v0 =	vand.u32 $0xFFFF0000, v0  }
0x47: {  	[tilespmem:s0+$0x4F00] =	vst v1  }
0x48: {  	[tilespmem:s0+$0x4F80] =	vst v0  }
0x49: {  	v0 =	vld [tilespmem:s22+$0x0];
	_ =	sdelay $0x7  }
0x4a: {  	v1 =	vld.idx.msk [tilespmem:v0+s2+$0x0], $0xffff;
	_ =	sdelay $0x4  }
0x4b: {  	s0 =	sand.u32 $0x70, s7;
	s7 =	sand.u32 $0x3C00, s1  }
0x4c: {  	s0 =	sor.u32 s0, s7;
	v2 =	vshll.u32 v1, $0x10;
	v1 =	vand.u32 $0xFFFF0000, v1  }
0x4d: {  	[tilespmem:s0+$0xC00] =	vst v2  }
0x4e: {  	[tilespmem:s0+$0xC80] =	vst v1  }
0x4f: {  	v1 =	vld.idx.msk [tilespmem:v0+s24+$0x0], $0xffff;
	_ =	sdelay $0x5  }
0x50: {  	v2 =	vshll.u32 v1, $0x10;
	v1 =	vand.u32 $0xFFFF0000, v1  }
0x51: {  	[tilespmem:s0+$0xD00] =	vst v2  }
0x52: {  	[tilespmem:s0+$0xD80] =	vst v1  }
0x53: {  	v1 =	vld.idx.msk [tilespmem:v0+s25+$0x0], $0xffff;
	_ =	sdelay $0x5  }
0x54: {  	v2 =	vshll.u32 v1, $0x10;
	v1 =	vand.u32 $0xFFFF0000, v1  }
0x55: {  	[tilespmem:s0+$0xE00] =	vst v2  }
0x56: {  	[tilespmem:s0+$0xE80] =	vst v1  }
0x57: {  	v1 =	vld.idx.msk [tilespmem:v0+s26+$0x0], $0xffff  }
0x58: {  	s7 =	sand.u32 $0x7, s6  }
0x59: {  	s7 =	sshll.u32 s7, $0x4  }
0x5a: {  	s7 =	sadd.s32 s7, s1  }
0x5b: {  	s7 =	sor.u32 $0x380, s7;
	_ =	sdelay $0x1  }
0x5c: {  	v2 =	vshll.u32 v1, $0x10;
	v1 =	vand.u32 $0xFFFF0000, v1  }
0x5d: {  	[tilespmem:s0+$0xF00] =	vst v2  }
0x5e: {  	[tilespmem:s7+$0xC00] =	vst v1  }
0x5f: {  	v1 =	vld.idx.msk [tilespmem:v0+s28+$0x0], $0xffff;
	_ =	sdelay $0x5  }
0x60: {  	v2 =	vshll.u32 v1, $0x10;
	v1 =	vand.u32 $0xFFFF0000, v1  }
0x61: {  	[tilespmem:s0+$0x4C00] =	vst v2  }
0x62: {  	[tilespmem:s0+$0x4C80] =	vst v1  }
0x63: {  	v1 =	vld.idx.msk [tilespmem:v0+s29+$0x0], $0xffff;
	_ =	sdelay $0x5  }
0x64: {  	v2 =	vshll.u32 v1, $0x10;
	v1 =	vand.u32 $0xFFFF0000, v1  }
0x65: {  	[tilespmem:s0+$0x4D00] =	vst v2  }
0x66: {  	[tilespmem:s0+$0x4D80] =	vst v1  }
0x67: {  	v1 =	vld.idx.msk [tilespmem:v0+s30+$0x0], $0xffff;
	_ =	sdelay $0x4  }
.Ltmp0:
0x68: {  	(pc) =	sbr.rel @p0 .LBB2_3-.Ltmp0, $4  }
0x69: {  	v2 =	vshll.u32 v1, $0x10;
	v1 =	vand.u32 $0xFFFF0000, v1  }
0x6a: {  	[tilespmem:s0+$0x4E00] =	vst v2  }
0x6b: {  	[tilespmem:s0+$0x4E80] =	vst v1  }
0x6c: {  	v0 =	vld.idx.msk [tilespmem:v0+s31+$0x0], $0xffff  }
0x6d: {  	_ =	sdelay $0x3  }
0x6e: {  	v1 =	vshll.u32 v0, $0x10  }
0x6f: {  	s4 =	rddreg [dreg:$0x1];
	v63 =	vand.u32 $0xFFFF0000, v0;
	[tilespmem:s0+$0x4F00] =	vst v1  }
0x70: {  	s1 =	simm.s32 $0xC00;
	[tilespmem:s0+$0x4F80] =	vst v63;
	s0 =	sadd.s32 s4, s5  }
0x71: {  	[hbm4b:s0+s2] =	stream.linear.scatter [tilespmem:s1], [sflag:$0x1], $0x80, $0x38;
	[tilespmem:$0x8C00] =	vst v63  }
0x72: {  	s4 =	simm.s32 $0x1000;
	s6 =	sadd.s32 $0x80, s0  }
0x73: {  	[hbm4b:s6+s2] =	stream.linear.scatter [tilespmem:s4], [sflag:$0x1], $0x80, $0x38;
	[tilespmem:$0x8C00] =	vst v63  }
0x74: {  	s22 =	simm.s32 $0x1400;
	s7 =	sadd.s32 $0x100, s0  }
0x75: {  	[hbm4b:s7+s2] =	stream.linear.scatter [tilespmem:s22], [sflag:$0x1], $0x80, $0x38;
	[tilespmem:$0x8C00] =	vst v63  }
0x76: {  	s4 =	sadd.s32 $0x180, s0;
	s6 =	simm.s32 $0x1800  }
0x77: {  	[hbm4b:s4+s2] =	stream.linear.scatter [tilespmem:s6], [sflag:$0x1], $0x80, $0x38;
	[tilespmem:$0x8C00] =	vst v63  }
0x78: {  	s7 =	sadd.s32 $0x200, s0;
	s22 =	simm.s32 $0x1C00  }
0x79: {  	[hbm4b:s7+s2] =	stream.linear.scatter [tilespmem:s22], [sflag:$0x1], $0x80, $0x38;
	[tilespmem:$0x8C00] =	vst v63  }
0x7a: {  	s4 =	sadd.s32 $0x280, s0;
	s6 =	simm.s32 $0x2000  }
0x7b: {  	[hbm4b:s4+s2] =	stream.linear.scatter [tilespmem:s6], [sflag:$0x1], $0x80, $0x38;
	[tilespmem:$0x8C00] =	vst v63  }
0x7c: {  	s7 =	sadd.s32 $0x300, s0;
	s22 =	simm.s32 $0x2400  }
0x7d: {  	[hbm4b:s7+s2] =	stream.linear.scatter [tilespmem:s22], [sflag:$0x1], $0x80, $0x38;
	[tilespmem:$0x8C00] =	vst v63  }
0x7e: {  	s4 =	sadd.s32 $0x380, s0;
	s6 =	simm.s32 $0x2800  }
0x7f: {  	[hbm4b:s4+s2] =	stream.linear.scatter [tilespmem:s6], [sflag:$0x1], $0x80, $0x38;
	[tilespmem:$0x8C00] =	vst v63  }
0x80: {  	s7 =	sadd.s32 $0x400, s0;
	s22 =	simm.s32 $0x2C00  }
0x81: {  	[hbm4b:s7+s2] =	stream.linear.scatter [tilespmem:s22], [sflag:$0x1], $0x80, $0x38;
	[tilespmem:$0x8C00] =	vst v63  }
0x82: {  	s4 =	sadd.s32 $0x480, s0;
	s6 =	simm.s32 $0x3000  }
0x83: {  	[hbm4b:s4+s2] =	stream.linear.scatter [tilespmem:s6], [sflag:$0x1], $0x80, $0x38;
	[tilespmem:$0x8C00] =	vst v63  }
0x84: {  	s7 =	sadd.s32 $0x500, s0;
	s22 =	simm.s32 $0x3400  }
0x85: {  	[hbm4b:s7+s2] =	stream.linear.scatter [tilespmem:s22], [sflag:$0x1], $0x80, $0x38;
	[tilespmem:$0x8C00] =	vst v63  }
0x86: {  	s4 =	sadd.s32 $0x580, s0;
	s6 =	simm.s32 $0x3800  }
0x87: {  	[hbm4b:s4+s2] =	stream.linear.scatter [tilespmem:s6], [sflag:$0x1], $0x80, $0x38;
	[tilespmem:$0x8C00] =	vst v63  }
0x88: {  	s7 =	sadd.s32 $0x600, s0;
	s22 =	simm.s32 $0x3C00  }
0x89: {  	[hbm4b:s7+s2] =	stream.linear.scatter [tilespmem:s22], [sflag:$0x1], $0x80, $0x38;
	[tilespmem:$0x8C00] =	vst v63  }
0x8a: {  	s4 =	sadd.s32 $0x680, s0;
	s6 =	simm.s32 $0x4000  }
0x8b: {  	[hbm4b:s4+s2] =	stream.linear.scatter [tilespmem:s6], [sflag:$0x1], $0x80, $0x38;
	[tilespmem:$0x8C00] =	vst v63  }
0x8c: {  	s7 =	sadd.s32 $0x700, s0;
	s22 =	simm.s32 $0x4400  }
0x8d: {  	[hbm4b:s7+s2] =	stream.linear.scatter [tilespmem:s22], [sflag:$0x1], $0x80, $0x38;
	[tilespmem:$0x8C00] =	vst v63  }
0x8e: {  	s0 =	sadd.s32 $0x780, s0;
	s6 =	simm.s32 $0x4800  }
0x8f: {  	[hbm4b:s0+s2] =	stream.linear.scatter [tilespmem:s6], [sflag:$0x1], $0x80, $0x38;
	[tilespmem:$0x8C00] =	vst v63  }
0x90: {  	_ =	swait.ge [sflag:s23], $0x800  }
0x91: {  	[sflag:s23] =	ssyncset.done $0x0;
	s7 =	rddreg [dreg:$0x6]  }
0x92: {  	s22 =	simm.s32 $0xC80;
	[sflag:s23] =	ssyncadd.s32 $0xFFFFF800;
	s0 =	sadd.s32 s5, s7  }
0x93: {  	[hbm4b:s0+s2] =	stream.linear.scatter [tilespmem:s22], [sflag:$0x1], $0x80, $0x38;
	[tilespmem:$0x8C00] =	vst v63  }
0x94: {  	s6 =	simm.s32 $0x1080;
	s4 =	sadd.s32 $0x80, s0  }
0x95: {  	[hbm4b:s4+s2] =	stream.linear.scatter [tilespmem:s6], [sflag:$0x1], $0x80, $0x38;
	[tilespmem:$0x8C00] =	vst v63  }
0x96: {  	s7 =	sadd.s32 $0x100, s0;
	s22 =	simm.s32 $0x1480  }
0x97: {  	[hbm4b:s7+s2] =	stream.linear.scatter [tilespmem:s22], [sflag:$0x1], $0x80, $0x38;
	[tilespmem:$0x8C00] =	vst v63  }
0x98: {  	s4 =	sadd.s32 $0x180, s0;
	s6 =	simm.s32 $0x1880  }
0x99: {  	[hbm4b:s4+s2] =	stream.linear.scatter [tilespmem:s6], [sflag:$0x1], $0x80, $0x38;
	[tilespmem:$0x8C00] =	vst v63  }
0x9a: {  	s7 =	sadd.s32 $0x200, s0;
	s22 =	simm.s32 $0x1C80  }
0x9b: {  	[hbm4b:s7+s2] =	stream.linear.scatter [tilespmem:s22], [sflag:$0x1], $0x80, $0x38;
	[tilespmem:$0x8C00] =	vst v63  }
0x9c: {  	s4 =	sadd.s32 $0x280, s0;
	s6 =	simm.s32 $0x2080  }
0x9d: {  	[hbm4b:s4+s2] =	stream.linear.scatter [tilespmem:s6], [sflag:$0x1], $0x80, $0x38;
	[tilespmem:$0x8C00] =	vst v63  }
0x9e: {  	s7 =	sadd.s32 $0x300, s0;
	s22 =	simm.s32 $0x2480  }
0x9f: {  	[hbm4b:s7+s2] =	stream.linear.scatter [tilespmem:s22], [sflag:$0x1], $0x80, $0x38;
	[tilespmem:$0x8C00] =	vst v63  }
0xa0: {  	s4 =	sadd.s32 $0x380, s0;
	s6 =	simm.s32 $0x2880  }
0xa1: {  	[hbm4b:s4+s2] =	stream.linear.scatter [tilespmem:s6], [sflag:$0x1], $0x80, $0x38;
	[tilespmem:$0x8C00] =	vst v63  }
0xa2: {  	s7 =	sadd.s32 $0x400, s0;
	s22 =	simm.s32 $0x2C80  }
0xa3: {  	[hbm4b:s7+s2] =	stream.linear.scatter [tilespmem:s22], [sflag:$0x1], $0x80, $0x38;
	[tilespmem:$0x8C00] =	vst v63  }
0xa4: {  	s4 =	sadd.s32 $0x480, s0;
	s6 =	simm.s32 $0x3080  }
0xa5: {  	[hbm4b:s4+s2] =	stream.linear.scatter [tilespmem:s6], [sflag:$0x1], $0x80, $0x38;
	[tilespmem:$0x8C00] =	vst v63  }
0xa6: {  	s7 =	sadd.s32 $0x500, s0;
	s22 =	simm.s32 $0x3480  }
0xa7: {  	[hbm4b:s7+s2] =	stream.linear.scatter [tilespmem:s22], [sflag:$0x1], $0x80, $0x38;
	[tilespmem:$0x8C00] =	vst v63  }
0xa8: {  	s4 =	sadd.s32 $0x580, s0;
	s6 =	simm.s32 $0x3880  }
0xa9: {  	[hbm4b:s4+s2] =	stream.linear.scatter [tilespmem:s6], [sflag:$0x1], $0x80, $0x38;
	[tilespmem:$0x8C00] =	vst v63  }
0xaa: {  	s7 =	sadd.s32 $0x600, s0;
	s22 =	simm.s32 $0x3C80  }
0xab: {  	[hbm4b:s7+s2] =	stream.linear.scatter [tilespmem:s22], [sflag:$0x1], $0x80, $0x38;
	[tilespmem:$0x8C00] =	vst v63  }
0xac: {  	s4 =	sadd.s32 $0x680, s0;
	s6 =	simm.s32 $0x4080  }
0xad: {  	[hbm4b:s4+s2] =	stream.linear.scatter [tilespmem:s6], [sflag:$0x1], $0x80, $0x38;
	[tilespmem:$0x8C00] =	vst v63  }
0xae: {  	s7 =	sadd.s32 $0x700, s0;
	s22 =	simm.s32 $0x4480  }
0xaf: {  	[hbm4b:s7+s2] =	stream.linear.scatter [tilespmem:s22], [sflag:$0x1], $0x80, $0x38;
	[tilespmem:$0x8C00] =	vst v63  }
0xb0: {  	s0 =	sadd.s32 $0x780, s0;
	s4 =	simm.s32 $0x4880  }
0xb1: {  	[hbm4b:s0+s2] =	stream.linear.scatter [tilespmem:s4], [sflag:$0x1], $0x80, $0x38;
	[tilespmem:$0x8C00] =	vst v63  }
0xb2: {  	_ =	swait.ge [sflag:s23], $0x800  }
0xb3: {  	[sflag:s23] =	ssyncset.done $0x0  }
0xb4: {  	s6 =	simm.s32 $0xD00;
	s0 =	sadd.s32 s5, s8;
	[sflag:s23] =	ssyncadd.s32 $0xFFFFF800  }
0xb5: {  	[hbm4b:s0+s2] =	stream.linear.scatter [tilespmem:s6], [sflag:$0x1], $0x80, $0x38;
	[tilespmem:$0x8C00] =	vst v63  }
0xb6: {  	s22 =	simm.s32 $0x1100;
	s7 =	sadd.s32 $0x80, s0  }
0xb7: {  	[hbm4b:s7+s2] =	stream.linear.scatter [tilespmem:s22], [sflag:$0x1], $0x80, $0x38;
	[tilespmem:$0x8C00] =	vst v63  }
0xb8: {  	s4 =	sadd.s32 $0x100, s0;
	s6 =	simm.s32 $0x1500  }
0xb9: {  	[hbm4b:s4+s2] =	stream.linear.scatter [tilespmem:s6], [sflag:$0x1], $0x80, $0x38;
	[tilespmem:$0x8C00] =	vst v63  }
0xba: {  	s7 =	sadd.s32 $0x180, s0;
	s22 =	simm.s32 $0x1900  }
0xbb: {  	[hbm4b:s7+s2] =	stream.linear.scatter [tilespmem:s22], [sflag:$0x1], $0x80, $0x38;
	[tilespmem:$0x8C00] =	vst v63  }
0xbc: {  	s4 =	sadd.s32 $0x200, s0;
	s6 =	simm.s32 $0x1D00  }
0xbd: {  	[hbm4b:s4+s2] =	stream.linear.scatter [tilespmem:s6], [sflag:$0x1], $0x80, $0x38;
	[tilespmem:$0x8C00] =	vst v63  }
0xbe: {  	s7 =	sadd.s32 $0x280, s0;
	s22 =	simm.s32 $0x2100  }
0xbf: {  	[hbm4b:s7+s2] =	stream.linear.scatter [tilespmem:s22], [sflag:$0x1], $0x80, $0x38;
	[tilespmem:$0x8C00] =	vst v63  }
0xc0: {  	s4 =	sadd.s32 $0x300, s0;
	s6 =	simm.s32 $0x2500  }
0xc1: {  	[hbm4b:s4+s2] =	stream.linear.scatter [tilespmem:s6], [sflag:$0x1], $0x80, $0x38;
	[tilespmem:$0x8C00] =	vst v63  }
0xc2: {  	s7 =	sadd.s32 $0x380, s0;
	s22 =	simm.s32 $0x2900  }
0xc3: {  	[hbm4b:s7+s2] =	stream.linear.scatter [tilespmem:s22], [sflag:$0x1], $0x80, $0x38;
	[tilespmem:$0x8C00] =	vst v63  }
0xc4: {  	s4 =	sadd.s32 $0x400, s0;
	s6 =	simm.s32 $0x2D00  }
0xc5: {  	[hbm4b:s4+s2] =	stream.linear.scatter [tilespmem:s6], [sflag:$0x1], $0x80, $0x38;
	[tilespmem:$0x8C00] =	vst v63  }
0xc6: {  	s7 =	sadd.s32 $0x480, s0;
	s22 =	simm.s32 $0x3100  }
0xc7: {  	[hbm4b:s7+s2] =	stream.linear.scatter [tilespmem:s22], [sflag:$0x1], $0x80, $0x38;
	[tilespmem:$0x8C00] =	vst v63  }
0xc8: {  	s4 =	sadd.s32 $0x500, s0;
	s6 =	simm.s32 $0x3500  }
0xc9: {  	[hbm4b:s4+s2] =	stream.linear.scatter [tilespmem:s6], [sflag:$0x1], $0x80, $0x38;
	[tilespmem:$0x8C00] =	vst v63  }
0xca: {  	s7 =	sadd.s32 $0x580, s0;
	s22 =	simm.s32 $0x3900  }
0xcb: {  	[hbm4b:s7+s2] =	stream.linear.scatter [tilespmem:s22], [sflag:$0x1], $0x80, $0x38;
	[tilespmem:$0x8C00] =	vst v63  }
0xcc: {  	s4 =	sadd.s32 $0x600, s0;
	s6 =	simm.s32 $0x3D00  }
0xcd: {  	[hbm4b:s4+s2] =	stream.linear.scatter [tilespmem:s6], [sflag:$0x1], $0x80, $0x38;
	[tilespmem:$0x8C00] =	vst v63  }
0xce: {  	s7 =	sadd.s32 $0x680, s0;
	s22 =	simm.s32 $0x4100  }
0xcf: {  	[hbm4b:s7+s2] =	stream.linear.scatter [tilespmem:s22], [sflag:$0x1], $0x80, $0x38;
	[tilespmem:$0x8C00] =	vst v63  }
0xd0: {  	s4 =	sadd.s32 $0x700, s0;
	s6 =	simm.s32 $0x4500  }
0xd1: {  	[hbm4b:s4+s2] =	stream.linear.scatter [tilespmem:s6], [sflag:$0x1], $0x80, $0x38;
	[tilespmem:$0x8C00] =	vst v63  }
0xd2: {  	s0 =	sadd.s32 $0x780, s0;
	s7 =	simm.s32 $0x4900  }
0xd3: {  	[hbm4b:s0+s2] =	stream.linear.scatter [tilespmem:s7], [sflag:$0x1], $0x80, $0x38;
	[tilespmem:$0x8C00] =	vst v63  }
0xd4: {  	_ =	swait.ge [sflag:s23], $0x800  }
0xd5: {  	[sflag:s23] =	ssyncset.done $0x0  }
0xd6: {  	s22 =	simm.s32 $0xD80;
	s0 =	sadd.s32 s5, s9;
	[sflag:s23] =	ssyncadd.s32 $0xFFFFF800  }
0xd7: {  	[hbm4b:s0+s2] =	stream.linear.scatter [tilespmem:s22], [sflag:$0x1], $0x80, $0x38;
	[tilespmem:$0x8C00] =	vst v63  }
0xd8: {  	s6 =	simm.s32 $0x1180;
	s4 =	sadd.s32 $0x80, s0  }
0xd9: {  	[hbm4b:s4+s2] =	stream.linear.scatter [tilespmem:s6], [sflag:$0x1], $0x80, $0x38;
	[tilespmem:$0x8C00] =	vst v63  }
0xda: {  	s7 =	sadd.s32 $0x100, s0;
	s22 =	simm.s32 $0x1580  }
0xdb: {  	[hbm4b:s7+s2] =	stream.linear.scatter [tilespmem:s22], [sflag:$0x1], $0x80, $0x38;
	[tilespmem:$0x8C00] =	vst v63  }
0xdc: {  	s4 =	sadd.s32 $0x180, s0;
	s6 =	simm.s32 $0x1980  }
0xdd: {  	[hbm4b:s4+s2] =	stream.linear.scatter [tilespmem:s6], [sflag:$0x1], $0x80, $0x38;
	[tilespmem:$0x8C00] =	vst v63  }
0xde: {  	s7 =	sadd.s32 $0x200, s0;
	s22 =	simm.s32 $0x1D80  }
0xdf: {  	[hbm4b:s7+s2] =	stream.linear.scatter [tilespmem:s22], [sflag:$0x1], $0x80, $0x38;
	[tilespmem:$0x8C00] =	vst v63  }
0xe0: {  	s4 =	sadd.s32 $0x280, s0;
	s6 =	simm.s32 $0x2180  }
0xe1: {  	[hbm4b:s4+s2] =	stream.linear.scatter [tilespmem:s6], [sflag:$0x1], $0x80, $0x38;
	[tilespmem:$0x8C00] =	vst v63  }
0xe2: {  	s7 =	sadd.s32 $0x300, s0;
	s22 =	simm.s32 $0x2580  }
0xe3: {  	[hbm4b:s7+s2] =	stream.linear.scatter [tilespmem:s22], [sflag:$0x1], $0x80, $0x38;
	[tilespmem:$0x8C00] =	vst v63  }
0xe4: {  	s4 =	sadd.s32 $0x380, s0;
	s6 =	simm.s32 $0x2980  }
0xe5: {  	[hbm4b:s4+s2] =	stream.linear.scatter [tilespmem:s6], [sflag:$0x1], $0x80, $0x38;
	[tilespmem:$0x8C00] =	vst v63  }
0xe6: {  	s7 =	sadd.s32 $0x400, s0;
	s22 =	simm.s32 $0x2D80  }
0xe7: {  	[hbm4b:s7+s2] =	stream.linear.scatter [tilespmem:s22], [sflag:$0x1], $0x80, $0x38;
	[tilespmem:$0x8C00] =	vst v63  }
0xe8: {  	s4 =	sadd.s32 $0x480, s0;
	s6 =	simm.s32 $0x3180  }
0xe9: {  	[hbm4b:s4+s2] =	stream.linear.scatter [tilespmem:s6], [sflag:$0x1], $0x80, $0x38;
	[tilespmem:$0x8C00] =	vst v63  }
0xea: {  	s7 =	sadd.s32 $0x500, s0;
	s22 =	simm.s32 $0x3580  }
0xeb: {  	[hbm4b:s7+s2] =	stream.linear.scatter [tilespmem:s22], [sflag:$0x1], $0x80, $0x38;
	[tilespmem:$0x8C00] =	vst v63  }
0xec: {  	s4 =	sadd.s32 $0x580, s0;
	s6 =	simm.s32 $0x3980  }
0xed: {  	[hbm4b:s4+s2] =	stream.linear.scatter [tilespmem:s6], [sflag:$0x1], $0x80, $0x38;
	[tilespmem:$0x8C00] =	vst v63  }
0xee: {  	s7 =	sadd.s32 $0x600, s0;
	s22 =	simm.s32 $0x3D80  }
0xef: {  	[hbm4b:s7+s2] =	stream.linear.scatter [tilespmem:s22], [sflag:$0x1], $0x80, $0x38;
	[tilespmem:$0x8C00] =	vst v63  }
0xf0: {  	s4 =	sadd.s32 $0x680, s0;
	s6 =	simm.s32 $0x4180  }
0xf1: {  	[hbm4b:s4+s2] =	stream.linear.scatter [tilespmem:s6], [sflag:$0x1], $0x80, $0x38;
	[tilespmem:$0x8C00] =	vst v63  }
0xf2: {  	s7 =	sadd.s32 $0x700, s0;
	s22 =	simm.s32 $0x4580  }
0xf3: {  	[hbm4b:s7+s2] =	stream.linear.scatter [tilespmem:s22], [sflag:$0x1], $0x80, $0x38;
	[tilespmem:$0x8C00] =	vst v63  }
0xf4: {  	s0 =	sadd.s32 $0x780, s0;
	s4 =	simm.s32 $0x4980  }
0xf5: {  	[hbm4b:s0+s2] =	stream.linear.scatter [tilespmem:s4], [sflag:$0x1], $0x80, $0x38;
	[tilespmem:$0x8C00] =	vst v63  }
0xf6: {  	_ =	swait.ge [sflag:s23], $0x800  }
0xf7: {  	[sflag:s23] =	ssyncset.done $0x0  }
0xf8: {  	s6 =	simm.s32 $0xE00;
	s0 =	sadd.s32 s5, s10;
	[sflag:s23] =	ssyncadd.s32 $0xFFFFF800  }
0xf9: {  	[hbm4b:s0+s2] =	stream.linear.scatter [tilespmem:s6], [sflag:$0x1], $0x80, $0x38;
	[tilespmem:$0x8C00] =	vst v63  }
0xfa: {  	s22 =	simm.s32 $0x1200;
	s7 =	sadd.s32 $0x80, s0  }
0xfb: {  	[hbm4b:s7+s2] =	stream.linear.scatter [tilespmem:s22], [sflag:$0x1], $0x80, $0x38;
	[tilespmem:$0x8C00] =	vst v63  }
0xfc: {  	s4 =	sadd.s32 $0x100, s0;
	s6 =	simm.s32 $0x1600  }
0xfd: {  	[hbm4b:s4+s2] =	stream.linear.scatter [tilespmem:s6], [sflag:$0x1], $0x80, $0x38;
	[tilespmem:$0x8C00] =	vst v63  }
0xfe: {  	s7 =	sadd.s32 $0x180, s0;
	s22 =	simm.s32 $0x1A00  }
0xff: {  	[hbm4b:s7+s2] =	stream.linear.scatter [tilespmem:s22], [sflag:$0x1], $0x80, $0x38;
	[tilespmem:$0x8C00] =	vst v63  }
0x100: {  	s4 =	sadd.s32 $0x200, s0;
	s6 =	simm.s32 $0x1E00  }
0x101: {  	[hbm4b:s4+s2] =	stream.linear.scatter [tilespmem:s6], [sflag:$0x1], $0x80, $0x38;
	[tilespmem:$0x8C00] =	vst v63  }
0x102: {  	s7 =	sadd.s32 $0x280, s0;
	s22 =	simm.s32 $0x2200  }
0x103: {  	[hbm4b:s7+s2] =	stream.linear.scatter [tilespmem:s22], [sflag:$0x1], $0x80, $0x38;
	[tilespmem:$0x8C00] =	vst v63  }
0x104: {  	s4 =	sadd.s32 $0x300, s0;
	s6 =	simm.s32 $0x2600  }
0x105: {  	[hbm4b:s4+s2] =	stream.linear.scatter [tilespmem:s6], [sflag:$0x1], $0x80, $0x38;
	[tilespmem:$0x8C00] =	vst v63  }
0x106: {  	s7 =	sadd.s32 $0x380, s0;
	s22 =	simm.s32 $0x2A00  }
0x107: {  	[hbm4b:s7+s2] =	stream.linear.scatter [tilespmem:s22], [sflag:$0x1], $0x80, $0x38;
	[tilespmem:$0x8C00] =	vst v63  }
0x108: {  	s4 =	sadd.s32 $0x400, s0;
	s6 =	simm.s32 $0x2E00  }
0x109: {  	[hbm4b:s4+s2] =	stream.linear.scatter [tilespmem:s6], [sflag:$0x1], $0x80, $0x38;
	[tilespmem:$0x8C00] =	vst v63  }
0x10a: {  	s7 =	sadd.s32 $0x480, s0;
	s22 =	simm.s32 $0x3200  }
0x10b: {  	[hbm4b:s7+s2] =	stream.linear.scatter [tilespmem:s22], [sflag:$0x1], $0x80, $0x38;
	[tilespmem:$0x8C00] =	vst v63  }
0x10c: {  	s4 =	sadd.s32 $0x500, s0;
	s6 =	simm.s32 $0x3600  }
0x10d: {  	[hbm4b:s4+s2] =	stream.linear.scatter [tilespmem:s6], [sflag:$0x1], $0x80, $0x38;
	[tilespmem:$0x8C00] =	vst v63  }
0x10e: {  	s7 =	sadd.s32 $0x580, s0;
	s22 =	simm.s32 $0x3A00  }
0x10f: {  	[hbm4b:s7+s2] =	stream.linear.scatter [tilespmem:s22], [sflag:$0x1], $0x80, $0x38;
	[tilespmem:$0x8C00] =	vst v63  }
0x110: {  	s4 =	sadd.s32 $0x600, s0;
	s6 =	simm.s32 $0x3E00  }
0x111: {  	[hbm4b:s4+s2] =	stream.linear.scatter [tilespmem:s6], [sflag:$0x1], $0x80, $0x38;
	[tilespmem:$0x8C00] =	vst v63  }
0x112: {  	s7 =	sadd.s32 $0x680, s0;
	s22 =	simm.s32 $0x4200  }
0x113: {  	[hbm4b:s7+s2] =	stream.linear.scatter [tilespmem:s22], [sflag:$0x1], $0x80, $0x38;
	[tilespmem:$0x8C00] =	vst v63  }
0x114: {  	s4 =	sadd.s32 $0x700, s0;
	s6 =	simm.s32 $0x4600  }
0x115: {  	[hbm4b:s4+s2] =	stream.linear.scatter [tilespmem:s6], [sflag:$0x1], $0x80, $0x38;
	[tilespmem:$0x8C00] =	vst v63  }
0x116: {  	s0 =	sadd.s32 $0x780, s0;
	s7 =	simm.s32 $0x4A00  }
0x117: {  	[hbm4b:s0+s2] =	stream.linear.scatter [tilespmem:s7], [sflag:$0x1], $0x80, $0x38;
	[tilespmem:$0x8C00] =	vst v63  }
0x118: {  	_ =	swait.ge [sflag:s23], $0x800  }
0x119: {  	[sflag:s23] =	ssyncset.done $0x0  }
0x11a: {  	s22 =	simm.s32 $0xE80;
	s0 =	sadd.s32 s5, s11;
	[sflag:s23] =	ssyncadd.s32 $0xFFFFF800  }
0x11b: {  	[hbm4b:s0+s2] =	stream.linear.scatter [tilespmem:s22], [sflag:$0x1], $0x80, $0x38;
	[tilespmem:$0x8C00] =	vst v63  }
0x11c: {  	s6 =	simm.s32 $0x1280;
	s4 =	sadd.s32 $0x80, s0  }
0x11d: {  	[hbm4b:s4+s2] =	stream.linear.scatter [tilespmem:s6], [sflag:$0x1], $0x80, $0x38;
	[tilespmem:$0x8C00] =	vst v63  }
0x11e: {  	s7 =	sadd.s32 $0x100, s0;
	s22 =	simm.s32 $0x1680  }
0x11f: {  	[hbm4b:s7+s2] =	stream.linear.scatter [tilespmem:s22], [sflag:$0x1], $0x80, $0x38;
	[tilespmem:$0x8C00] =	vst v63  }
0x120: {  	s4 =	sadd.s32 $0x180, s0;
	s6 =	simm.s32 $0x1A80  }
0x121: {  	[hbm4b:s4+s2] =	stream.linear.scatter [tilespmem:s6], [sflag:$0x1], $0x80, $0x38;
	[tilespmem:$0x8C00] =	vst v63  }
0x122: {  	s7 =	sadd.s32 $0x200, s0;
	s22 =	simm.s32 $0x1E80  }
0x123: {  	[hbm4b:s7+s2] =	stream.linear.scatter [tilespmem:s22], [sflag:$0x1], $0x80, $0x38;
	[tilespmem:$0x8C00] =	vst v63  }
0x124: {  	s4 =	sadd.s32 $0x280, s0;
	s6 =	simm.s32 $0x2280  }
0x125: {  	[hbm4b:s4+s2] =	stream.linear.scatter [tilespmem:s6], [sflag:$0x1], $0x80, $0x38;
	[tilespmem:$0x8C00] =	vst v63  }
0x126: {  	s7 =	sadd.s32 $0x300, s0;
	s22 =	simm.s32 $0x2680  }
0x127: {  	[hbm4b:s7+s2] =	stream.linear.scatter [tilespmem:s22], [sflag:$0x1], $0x80, $0x38;
	[tilespmem:$0x8C00] =	vst v63  }
0x128: {  	s4 =	sadd.s32 $0x380, s0;
	s6 =	simm.s32 $0x2A80  }
0x129: {  	[hbm4b:s4+s2] =	stream.linear.scatter [tilespmem:s6], [sflag:$0x1], $0x80, $0x38;
	[tilespmem:$0x8C00] =	vst v63  }
0x12a: {  	s7 =	sadd.s32 $0x400, s0;
	s22 =	simm.s32 $0x2E80  }
0x12b: {  	[hbm4b:s7+s2] =	stream.linear.scatter [tilespmem:s22], [sflag:$0x1], $0x80, $0x38;
	[tilespmem:$0x8C00] =	vst v63  }
0x12c: {  	s4 =	sadd.s32 $0x480, s0;
	s6 =	simm.s32 $0x3280  }
0x12d: {  	[hbm4b:s4+s2] =	stream.linear.scatter [tilespmem:s6], [sflag:$0x1], $0x80, $0x38;
	[tilespmem:$0x8C00] =	vst v63  }
0x12e: {  	s7 =	sadd.s32 $0x500, s0;
	s22 =	simm.s32 $0x3680  }
0x12f: {  	[hbm4b:s7+s2] =	stream.linear.scatter [tilespmem:s22], [sflag:$0x1], $0x80, $0x38;
	[tilespmem:$0x8C00] =	vst v63  }
0x130: {  	s4 =	sadd.s32 $0x580, s0;
	s6 =	simm.s32 $0x3A80  }
0x131: {  	[hbm4b:s4+s2] =	stream.linear.scatter [tilespmem:s6], [sflag:$0x1], $0x80, $0x38;
	[tilespmem:$0x8C00] =	vst v63  }
0x132: {  	s7 =	sadd.s32 $0x600, s0;
	s22 =	simm.s32 $0x3E80  }
0x133: {  	[hbm4b:s7+s2] =	stream.linear.scatter [tilespmem:s22], [sflag:$0x1], $0x80, $0x38;
	[tilespmem:$0x8C00] =	vst v63  }
0x134: {  	s4 =	sadd.s32 $0x680, s0;
	s6 =	simm.s32 $0x4280  }
0x135: {  	[hbm4b:s4+s2] =	stream.linear.scatter [tilespmem:s6], [sflag:$0x1], $0x80, $0x38;
	[tilespmem:$0x8C00] =	vst v63  }
0x136: {  	s7 =	sadd.s32 $0x700, s0;
	s22 =	simm.s32 $0x4680  }
0x137: {  	[hbm4b:s7+s2] =	stream.linear.scatter [tilespmem:s22], [sflag:$0x1], $0x80, $0x38;
	[tilespmem:$0x8C00] =	vst v63  }
0x138: {  	s0 =	sadd.s32 $0x780, s0;
	s4 =	simm.s32 $0x4A80  }
0x139: {  	[hbm4b:s0+s2] =	stream.linear.scatter [tilespmem:s4], [sflag:$0x1], $0x80, $0x38;
	[tilespmem:$0x8C00] =	vst v63  }
0x13a: {  	_ =	swait.ge [sflag:s23], $0x800  }
0x13b: {  	[sflag:s23] =	ssyncset.done $0x0  }
0x13c: {  	s6 =	simm.s32 $0xF00;
	s0 =	sadd.s32 s5, s12;
	[sflag:s23] =	ssyncadd.s32 $0xFFFFF800  }
0x13d: {  	[hbm4b:s0+s2] =	stream.linear.scatter [tilespmem:s6], [sflag:$0x1], $0x80, $0x38;
	[tilespmem:$0x8C00] =	vst v63  }
0x13e: {  	s22 =	simm.s32 $0x1300;
	s7 =	sadd.s32 $0x80, s0  }
0x13f: {  	[hbm4b:s7+s2] =	stream.linear.scatter [tilespmem:s22], [sflag:$0x1], $0x80, $0x38;
	[tilespmem:$0x8C00] =	vst v63  }
0x140: {  	s4 =	sadd.s32 $0x100, s0;
	s6 =	simm.s32 $0x1700  }
0x141: {  	[hbm4b:s4+s2] =	stream.linear.scatter [tilespmem:s6], [sflag:$0x1], $0x80, $0x38;
	[tilespmem:$0x8C00] =	vst v63  }
0x142: {  	s7 =	sadd.s32 $0x180, s0;
	s22 =	simm.s32 $0x1B00  }
0x143: {  	[hbm4b:s7+s2] =	stream.linear.scatter [tilespmem:s22], [sflag:$0x1], $0x80, $0x38;
	[tilespmem:$0x8C00] =	vst v63  }
0x144: {  	s4 =	sadd.s32 $0x200, s0;
	s6 =	simm.s32 $0x1F00  }
0x145: {  	[hbm4b:s4+s2] =	stream.linear.scatter [tilespmem:s6], [sflag:$0x1], $0x80, $0x38;
	[tilespmem:$0x8C00] =	vst v63  }
0x146: {  	s7 =	sadd.s32 $0x280, s0;
	s22 =	simm.s32 $0x2300  }
0x147: {  	[hbm4b:s7+s2] =	stream.linear.scatter [tilespmem:s22], [sflag:$0x1], $0x80, $0x38;
	[tilespmem:$0x8C00] =	vst v63  }
0x148: {  	s4 =	sadd.s32 $0x300, s0;
	s6 =	simm.s32 $0x2700  }
0x149: {  	[hbm4b:s4+s2] =	stream.linear.scatter [tilespmem:s6], [sflag:$0x1], $0x80, $0x38;
	[tilespmem:$0x8C00] =	vst v63  }
0x14a: {  	s7 =	sadd.s32 $0x380, s0;
	s22 =	simm.s32 $0x2B00  }
0x14b: {  	[hbm4b:s7+s2] =	stream.linear.scatter [tilespmem:s22], [sflag:$0x1], $0x80, $0x38;
	[tilespmem:$0x8C00] =	vst v63  }
0x14c: {  	s4 =	sadd.s32 $0x400, s0;
	s6 =	simm.s32 $0x2F00  }
0x14d: {  	[hbm4b:s4+s2] =	stream.linear.scatter [tilespmem:s6], [sflag:$0x1], $0x80, $0x38;
	[tilespmem:$0x8C00] =	vst v63  }
0x14e: {  	s7 =	sadd.s32 $0x480, s0;
	s22 =	simm.s32 $0x3300  }
0x14f: {  	[hbm4b:s7+s2] =	stream.linear.scatter [tilespmem:s22], [sflag:$0x1], $0x80, $0x38;
	[tilespmem:$0x8C00] =	vst v63  }
0x150: {  	s4 =	sadd.s32 $0x500, s0;
	s6 =	simm.s32 $0x3700  }
0x151: {  	[hbm4b:s4+s2] =	stream.linear.scatter [tilespmem:s6], [sflag:$0x1], $0x80, $0x38;
	[tilespmem:$0x8C00] =	vst v63  }
0x152: {  	s7 =	sadd.s32 $0x580, s0;
	s22 =	simm.s32 $0x3B00  }
0x153: {  	[hbm4b:s7+s2] =	stream.linear.scatter [tilespmem:s22], [sflag:$0x1], $0x80, $0x38;
	[tilespmem:$0x8C00] =	vst v63  }
0x154: {  	s4 =	sadd.s32 $0x600, s0;
	s6 =	simm.s32 $0x3F00  }
0x155: {  	[hbm4b:s4+s2] =	stream.linear.scatter [tilespmem:s6], [sflag:$0x1], $0x80, $0x38;
	[tilespmem:$0x8C00] =	vst v63  }
0x156: {  	s7 =	sadd.s32 $0x680, s0;
	s22 =	simm.s32 $0x4300  }
0x157: {  	[hbm4b:s7+s2] =	stream.linear.scatter [tilespmem:s22], [sflag:$0x1], $0x80, $0x38;
	[tilespmem:$0x8C00] =	vst v63  }
0x158: {  	s4 =	sadd.s32 $0x700, s0;
	s6 =	simm.s32 $0x4700  }
0x159: {  	[hbm4b:s4+s2] =	stream.linear.scatter [tilespmem:s6], [sflag:$0x1], $0x80, $0x38;
	[tilespmem:$0x8C00] =	vst v63  }
0x15a: {  	s0 =	sadd.s32 $0x780, s0;
	s7 =	simm.s32 $0x4B00  }
0x15b: {  	[hbm4b:s0+s2] =	stream.linear.scatter [tilespmem:s7], [sflag:$0x1], $0x80, $0x38;
	[tilespmem:$0x8C00] =	vst v63  }
0x15c: {  	_ =	swait.ge [sflag:s23], $0x800  }
0x15d: {  	[sflag:s23] =	ssyncset.done $0x0  }
0x15e: {  	s22 =	simm.s32 $0xF80;
	s0 =	sadd.s32 s5, s13;
	[sflag:s23] =	ssyncadd.s32 $0xFFFFF800  }
0x15f: {  	[hbm4b:s0+s2] =	stream.linear.scatter [tilespmem:s22], [sflag:$0x1], $0x80, $0x38;
	[tilespmem:$0x8C00] =	vst v63  }
0x160: {  	s6 =	simm.s32 $0x1380;
	s4 =	sadd.s32 $0x80, s0  }
0x161: {  	[hbm4b:s4+s2] =	stream.linear.scatter [tilespmem:s6], [sflag:$0x1], $0x80, $0x38;
	[tilespmem:$0x8C00] =	vst v63  }
0x162: {  	s7 =	sadd.s32 $0x100, s0;
	s22 =	simm.s32 $0x1780  }
0x163: {  	[hbm4b:s7+s2] =	stream.linear.scatter [tilespmem:s22], [sflag:$0x1], $0x80, $0x38;
	[tilespmem:$0x8C00] =	vst v63  }
0x164: {  	s4 =	sadd.s32 $0x180, s0;
	s6 =	simm.s32 $0x1B80  }
0x165: {  	[hbm4b:s4+s2] =	stream.linear.scatter [tilespmem:s6], [sflag:$0x1], $0x80, $0x38;
	[tilespmem:$0x8C00] =	vst v63  }
0x166: {  	s7 =	sadd.s32 $0x200, s0;
	s22 =	simm.s32 $0x1F80  }
0x167: {  	[hbm4b:s7+s2] =	stream.linear.scatter [tilespmem:s22], [sflag:$0x1], $0x80, $0x38;
	[tilespmem:$0x8C00] =	vst v63  }
0x168: {  	s4 =	sadd.s32 $0x280, s0;
	s6 =	simm.s32 $0x2380  }
0x169: {  	[hbm4b:s4+s2] =	stream.linear.scatter [tilespmem:s6], [sflag:$0x1], $0x80, $0x38;
	[tilespmem:$0x8C00] =	vst v63  }
0x16a: {  	s7 =	sadd.s32 $0x300, s0;
	s22 =	simm.s32 $0x2780  }
0x16b: {  	[hbm4b:s7+s2] =	stream.linear.scatter [tilespmem:s22], [sflag:$0x1], $0x80, $0x38;
	[tilespmem:$0x8C00] =	vst v63  }
0x16c: {  	s4 =	sadd.s32 $0x380, s0;
	s6 =	simm.s32 $0x2B80  }
0x16d: {  	[hbm4b:s4+s2] =	stream.linear.scatter [tilespmem:s6], [sflag:$0x1], $0x80, $0x38;
	[tilespmem:$0x8C00] =	vst v63  }
0x16e: {  	s7 =	sadd.s32 $0x400, s0;
	s22 =	simm.s32 $0x2F80  }
0x16f: {  	[hbm4b:s7+s2] =	stream.linear.scatter [tilespmem:s22], [sflag:$0x1], $0x80, $0x38;
	[tilespmem:$0x8C00] =	vst v63  }
0x170: {  	s4 =	sadd.s32 $0x480, s0;
	s6 =	simm.s32 $0x3380  }
0x171: {  	[hbm4b:s4+s2] =	stream.linear.scatter [tilespmem:s6], [sflag:$0x1], $0x80, $0x38;
	[tilespmem:$0x8C00] =	vst v63  }
0x172: {  	s7 =	sadd.s32 $0x500, s0;
	s22 =	simm.s32 $0x3780  }
0x173: {  	[hbm4b:s7+s2] =	stream.linear.scatter [tilespmem:s22], [sflag:$0x1], $0x80, $0x38;
	[tilespmem:$0x8C00] =	vst v63  }
0x174: {  	s4 =	sadd.s32 $0x580, s0;
	s6 =	simm.s32 $0x3B80  }
0x175: {  	[hbm4b:s4+s2] =	stream.linear.scatter [tilespmem:s6], [sflag:$0x1], $0x80, $0x38;
	[tilespmem:$0x8C00] =	vst v63  }
0x176: {  	s7 =	sadd.s32 $0x600, s0;
	s22 =	simm.s32 $0x3F80  }
0x177: {  	[hbm4b:s7+s2] =	stream.linear.scatter [tilespmem:s22], [sflag:$0x1], $0x80, $0x38;
	[tilespmem:$0x8C00] =	vst v63  }
0x178: {  	s4 =	sadd.s32 $0x680, s0;
	s6 =	simm.s32 $0x4380  }
0x179: {  	[hbm4b:s4+s2] =	stream.linear.scatter [tilespmem:s6], [sflag:$0x1], $0x80, $0x38;
	[tilespmem:$0x8C00] =	vst v63  }
0x17a: {  	s7 =	sadd.s32 $0x700, s0;
	s22 =	simm.s32 $0x4780  }
0x17b: {  	[hbm4b:s7+s2] =	stream.linear.scatter [tilespmem:s22], [sflag:$0x1], $0x80, $0x38;
	[tilespmem:$0x8C00] =	vst v63  }
0x17c: {  	s0 =	sadd.s32 $0x780, s0;
	s4 =	simm.s32 $0x4B80  }
0x17d: {  	[hbm4b:s0+s2] =	stream.linear.scatter [tilespmem:s4], [sflag:$0x1], $0x80, $0x38;
	[tilespmem:$0x8C00] =	vst v63  }
0x17e: {  	_ =	swait.ge [sflag:s23], $0x800  }
0x17f: {  	[sflag:s23] =	ssyncset.done $0x0  }
0x180: {  	s6 =	simm.s32 $0x4C00;
	s0 =	sadd.s32 s5, s14;
	[sflag:s23] =	ssyncadd.s32 $0xFFFFF800  }
0x181: {  	[hbm4b:s0+s2] =	stream.linear.scatter [tilespmem:s6], [sflag:$0x1], $0x80, $0x38;
	[tilespmem:$0x8C00] =	vst v63  }
0x182: {  	s22 =	simm.s32 $0x5000;
	s7 =	sadd.s32 $0x80, s0  }
0x183: {  	[hbm4b:s7+s2] =	stream.linear.scatter [tilespmem:s22], [sflag:$0x1], $0x80, $0x38;
	[tilespmem:$0x8C00] =	vst v63  }
0x184: {  	s4 =	sadd.s32 $0x100, s0;
	s6 =	simm.s32 $0x5400  }
0x185: {  	[hbm4b:s4+s2] =	stream.linear.scatter [tilespmem:s6], [sflag:$0x1], $0x80, $0x38;
	[tilespmem:$0x8C00] =	vst v63  }
0x186: {  	s7 =	sadd.s32 $0x180, s0;
	s22 =	simm.s32 $0x5800  }
0x187: {  	[hbm4b:s7+s2] =	stream.linear.scatter [tilespmem:s22], [sflag:$0x1], $0x80, $0x38;
	[tilespmem:$0x8C00] =	vst v63  }
0x188: {  	s4 =	sadd.s32 $0x200, s0;
	s6 =	simm.s32 $0x5C00  }
0x189: {  	[hbm4b:s4+s2] =	stream.linear.scatter [tilespmem:s6], [sflag:$0x1], $0x80, $0x38;
	[tilespmem:$0x8C00] =	vst v63  }
0x18a: {  	s7 =	sadd.s32 $0x280, s0;
	s22 =	simm.s32 $0x6000  }
0x18b: {  	[hbm4b:s7+s2] =	stream.linear.scatter [tilespmem:s22], [sflag:$0x1], $0x80, $0x38;
	[tilespmem:$0x8C00] =	vst v63  }
0x18c: {  	s4 =	sadd.s32 $0x300, s0;
	s6 =	simm.s32 $0x6400  }
0x18d: {  	[hbm4b:s4+s2] =	stream.linear.scatter [tilespmem:s6], [sflag:$0x1], $0x80, $0x38;
	[tilespmem:$0x8C00] =	vst v63  }
0x18e: {  	s7 =	sadd.s32 $0x380, s0;
	s22 =	simm.s32 $0x6800  }
0x18f: {  	[hbm4b:s7+s2] =	stream.linear.scatter [tilespmem:s22], [sflag:$0x1], $0x80, $0x38;
	[tilespmem:$0x8C00] =	vst v63  }
0x190: {  	s4 =	sadd.s32 $0x400, s0;
	s6 =	simm.s32 $0x6C00  }
0x191: {  	[hbm4b:s4+s2] =	stream.linear.scatter [tilespmem:s6], [sflag:$0x1], $0x80, $0x38;
	[tilespmem:$0x8C00] =	vst v63  }
0x192: {  	s7 =	sadd.s32 $0x480, s0;
	s22 =	simm.s32 $0x7000  }
0x193: {  	[hbm4b:s7+s2] =	stream.linear.scatter [tilespmem:s22], [sflag:$0x1], $0x80, $0x38;
	[tilespmem:$0x8C00] =	vst v63  }
0x194: {  	s4 =	sadd.s32 $0x500, s0;
	s6 =	simm.s32 $0x7400  }
0x195: {  	[hbm4b:s4+s2] =	stream.linear.scatter [tilespmem:s6], [sflag:$0x1], $0x80, $0x38;
	[tilespmem:$0x8C00] =	vst v63  }
0x196: {  	s7 =	sadd.s32 $0x580, s0;
	s22 =	simm.s32 $0x7800  }
0x197: {  	[hbm4b:s7+s2] =	stream.linear.scatter [tilespmem:s22], [sflag:$0x1], $0x80, $0x38;
	[tilespmem:$0x8C00] =	vst v63  }
0x198: {  	s4 =	sadd.s32 $0x600, s0;
	s6 =	simm.s32 $0x7C00  }
0x199: {  	[hbm4b:s4+s2] =	stream.linear.scatter [tilespmem:s6], [sflag:$0x1], $0x80, $0x38;
	[tilespmem:$0x8C00] =	vst v63  }
0x19a: {  	s7 =	sadd.s32 $0x680, s0;
	s22 =	simm.s32 $0x8000  }
0x19b: {  	[hbm4b:s7+s2] =	stream.linear.scatter [tilespmem:s22], [sflag:$0x1], $0x80, $0x38;
	[tilespmem:$0x8C00] =	vst v63  }
0x19c: {  	s4 =	sadd.s32 $0x700, s0;
	s6 =	simm.s32 $0x8400  }
0x19d: {  	[hbm4b:s4+s2] =	stream.linear.scatter [tilespmem:s6], [sflag:$0x1], $0x80, $0x38;
	[tilespmem:$0x8C00] =	vst v63  }
0x19e: {  	s0 =	sadd.s32 $0x780, s0;
	s7 =	simm.s32 $0x8800  }
0x19f: {  	[hbm4b:s0+s2] =	stream.linear.scatter [tilespmem:s7], [sflag:$0x1], $0x80, $0x38;
	[tilespmem:$0x8C00] =	vst v63  }
0x1a0: {  	_ =	swait.ge [sflag:s23], $0x800  }
0x1a1: {  	[sflag:s23] =	ssyncset.done $0x0  }
0x1a2: {  	s22 =	simm.s32 $0x4C80;
	s0 =	sadd.s32 s5, s15;
	[sflag:s23] =	ssyncadd.s32 $0xFFFFF800  }
0x1a3: {  	[hbm4b:s0+s2] =	stream.linear.scatter [tilespmem:s22], [sflag:$0x1], $0x80, $0x38;
	[tilespmem:$0x8C00] =	vst v63  }
0x1a4: {  	s6 =	simm.s32 $0x5080;
	s4 =	sadd.s32 $0x80, s0  }
0x1a5: {  	[hbm4b:s4+s2] =	stream.linear.scatter [tilespmem:s6], [sflag:$0x1], $0x80, $0x38;
	[tilespmem:$0x8C00] =	vst v63  }
0x1a6: {  	s7 =	sadd.s32 $0x100, s0;
	s22 =	simm.s32 $0x5480  }
0x1a7: {  	[hbm4b:s7+s2] =	stream.linear.scatter [tilespmem:s22], [sflag:$0x1], $0x80, $0x38;
	[tilespmem:$0x8C00] =	vst v63  }
0x1a8: {  	s4 =	sadd.s32 $0x180, s0;
	s6 =	simm.s32 $0x5880  }
0x1a9: {  	[hbm4b:s4+s2] =	stream.linear.scatter [tilespmem:s6], [sflag:$0x1], $0x80, $0x38;
	[tilespmem:$0x8C00] =	vst v63  }
0x1aa: {  	s7 =	sadd.s32 $0x200, s0;
	s22 =	simm.s32 $0x5C80  }
0x1ab: {  	[hbm4b:s7+s2] =	stream.linear.scatter [tilespmem:s22], [sflag:$0x1], $0x80, $0x38;
	[tilespmem:$0x8C00] =	vst v63  }
0x1ac: {  	s4 =	sadd.s32 $0x280, s0;
	s6 =	simm.s32 $0x6080  }
0x1ad: {  	[hbm4b:s4+s2] =	stream.linear.scatter [tilespmem:s6], [sflag:$0x1], $0x80, $0x38;
	[tilespmem:$0x8C00] =	vst v63  }
0x1ae: {  	s7 =	sadd.s32 $0x300, s0;
	s22 =	simm.s32 $0x6480  }
0x1af: {  	[hbm4b:s7+s2] =	stream.linear.scatter [tilespmem:s22], [sflag:$0x1], $0x80, $0x38;
	[tilespmem:$0x8C00] =	vst v63  }
0x1b0: {  	s4 =	sadd.s32 $0x380, s0;
	s6 =	simm.s32 $0x6880  }
0x1b1: {  	[hbm4b:s4+s2] =	stream.linear.scatter [tilespmem:s6], [sflag:$0x1], $0x80, $0x38;
	[tilespmem:$0x8C00] =	vst v63  }
0x1b2: {  	s7 =	sadd.s32 $0x400, s0;
	s22 =	simm.s32 $0x6C80  }
0x1b3: {  	[hbm4b:s7+s2] =	stream.linear.scatter [tilespmem:s22], [sflag:$0x1], $0x80, $0x38;
	[tilespmem:$0x8C00] =	vst v63  }
0x1b4: {  	s4 =	sadd.s32 $0x480, s0;
	s6 =	simm.s32 $0x7080  }
0x1b5: {  	[hbm4b:s4+s2] =	stream.linear.scatter [tilespmem:s6], [sflag:$0x1], $0x80, $0x38;
	[tilespmem:$0x8C00] =	vst v63  }
0x1b6: {  	s7 =	sadd.s32 $0x500, s0;
	s22 =	simm.s32 $0x7480  }
0x1b7: {  	[hbm4b:s7+s2] =	stream.linear.scatter [tilespmem:s22], [sflag:$0x1], $0x80, $0x38;
	[tilespmem:$0x8C00] =	vst v63  }
0x1b8: {  	s4 =	sadd.s32 $0x580, s0;
	s6 =	simm.s32 $0x7880  }
0x1b9: {  	[hbm4b:s4+s2] =	stream.linear.scatter [tilespmem:s6], [sflag:$0x1], $0x80, $0x38;
	[tilespmem:$0x8C00] =	vst v63  }
0x1ba: {  	s7 =	sadd.s32 $0x600, s0;
	s22 =	simm.s32 $0x7C80  }
0x1bb: {  	[hbm4b:s7+s2] =	stream.linear.scatter [tilespmem:s22], [sflag:$0x1], $0x80, $0x38;
	[tilespmem:$0x8C00] =	vst v63  }
0x1bc: {  	s4 =	sadd.s32 $0x680, s0;
	s6 =	simm.s32 $0x8080  }
0x1bd: {  	[hbm4b:s4+s2] =	stream.linear.scatter [tilespmem:s6], [sflag:$0x1], $0x80, $0x38;
	[tilespmem:$0x8C00] =	vst v63  }
0x1be: {  	s7 =	sadd.s32 $0x700, s0;
	s22 =	simm.s32 $0x8480  }
0x1bf: {  	[hbm4b:s7+s2] =	stream.linear.scatter [tilespmem:s22], [sflag:$0x1], $0x80, $0x38;
	[tilespmem:$0x8C00] =	vst v63  }
0x1c0: {  	s0 =	sadd.s32 $0x780, s0;
	s4 =	simm.s32 $0x8880  }
0x1c1: {  	[hbm4b:s0+s2] =	stream.linear.scatter [tilespmem:s4], [sflag:$0x1], $0x80, $0x38;
	[tilespmem:$0x8C00] =	vst v63  }
0x1c2: {  	_ =	swait.ge [sflag:s23], $0x800  }
0x1c3: {  	[sflag:s23] =	ssyncset.done $0x0  }
0x1c4: {  	s6 =	simm.s32 $0x4D00;
	s0 =	sadd.s32 s5, s16;
	[sflag:s23] =	ssyncadd.s32 $0xFFFFF800  }
0x1c5: {  	[hbm4b:s0+s2] =	stream.linear.scatter [tilespmem:s6], [sflag:$0x1], $0x80, $0x38;
	[tilespmem:$0x8C00] =	vst v63  }
0x1c6: {  	s22 =	simm.s32 $0x5100;
	s7 =	sadd.s32 $0x80, s0  }
0x1c7: {  	[hbm4b:s7+s2] =	stream.linear.scatter [tilespmem:s22], [sflag:$0x1], $0x80, $0x38;
	[tilespmem:$0x8C00] =	vst v63  }
0x1c8: {  	s4 =	sadd.s32 $0x100, s0;
	s6 =	simm.s32 $0x5500  }
0x1c9: {  	[hbm4b:s4+s2] =	stream.linear.scatter [tilespmem:s6], [sflag:$0x1], $0x80, $0x38;
	[tilespmem:$0x8C00] =	vst v63  }
0x1ca: {  	s7 =	sadd.s32 $0x180, s0;
	s22 =	simm.s32 $0x5900  }
0x1cb: {  	[hbm4b:s7+s2] =	stream.linear.scatter [tilespmem:s22], [sflag:$0x1], $0x80, $0x38;
	[tilespmem:$0x8C00] =	vst v63  }
0x1cc: {  	s4 =	sadd.s32 $0x200, s0;
	s6 =	simm.s32 $0x5D00  }
0x1cd: {  	[hbm4b:s4+s2] =	stream.linear.scatter [tilespmem:s6], [sflag:$0x1], $0x80, $0x38;
	[tilespmem:$0x8C00] =	vst v63  }
0x1ce: {  	s7 =	sadd.s32 $0x280, s0;
	s22 =	simm.s32 $0x6100  }
0x1cf: {  	[hbm4b:s7+s2] =	stream.linear.scatter [tilespmem:s22], [sflag:$0x1], $0x80, $0x38;
	[tilespmem:$0x8C00] =	vst v63  }
0x1d0: {  	s4 =	sadd.s32 $0x300, s0;
	s6 =	simm.s32 $0x6500  }
0x1d1: {  	[hbm4b:s4+s2] =	stream.linear.scatter [tilespmem:s6], [sflag:$0x1], $0x80, $0x38;
	[tilespmem:$0x8C00] =	vst v63  }
0x1d2: {  	s7 =	sadd.s32 $0x380, s0;
	s22 =	simm.s32 $0x6900  }
0x1d3: {  	[hbm4b:s7+s2] =	stream.linear.scatter [tilespmem:s22], [sflag:$0x1], $0x80, $0x38;
	[tilespmem:$0x8C00] =	vst v63  }
0x1d4: {  	s4 =	sadd.s32 $0x400, s0;
	s6 =	simm.s32 $0x6D00  }
0x1d5: {  	[hbm4b:s4+s2] =	stream.linear.scatter [tilespmem:s6], [sflag:$0x1], $0x80, $0x38;
	[tilespmem:$0x8C00] =	vst v63  }
0x1d6: {  	s7 =	sadd.s32 $0x480, s0;
	s22 =	simm.s32 $0x7100  }
0x1d7: {  	[hbm4b:s7+s2] =	stream.linear.scatter [tilespmem:s22], [sflag:$0x1], $0x80, $0x38;
	[tilespmem:$0x8C00] =	vst v63  }
0x1d8: {  	s4 =	sadd.s32 $0x500, s0;
	s6 =	simm.s32 $0x7500  }
0x1d9: {  	[hbm4b:s4+s2] =	stream.linear.scatter [tilespmem:s6], [sflag:$0x1], $0x80, $0x38;
	[tilespmem:$0x8C00] =	vst v63  }
0x1da: {  	s7 =	sadd.s32 $0x580, s0;
	s22 =	simm.s32 $0x7900  }
0x1db: {  	[hbm4b:s7+s2] =	stream.linear.scatter [tilespmem:s22], [sflag:$0x1], $0x80, $0x38;
	[tilespmem:$0x8C00] =	vst v63  }
0x1dc: {  	s4 =	sadd.s32 $0x600, s0;
	s6 =	simm.s32 $0x7D00  }
0x1dd: {  	[hbm4b:s4+s2] =	stream.linear.scatter [tilespmem:s6], [sflag:$0x1], $0x80, $0x38;
	[tilespmem:$0x8C00] =	vst v63  }
0x1de: {  	s7 =	sadd.s32 $0x680, s0;
	s22 =	simm.s32 $0x8100  }
0x1df: {  	[hbm4b:s7+s2] =	stream.linear.scatter [tilespmem:s22], [sflag:$0x1], $0x80, $0x38;
	[tilespmem:$0x8C00] =	vst v63  }
0x1e0: {  	s4 =	sadd.s32 $0x700, s0;
	s6 =	simm.s32 $0x8500  }
0x1e1: {  	[hbm4b:s4+s2] =	stream.linear.scatter [tilespmem:s6], [sflag:$0x1], $0x80, $0x38;
	[tilespmem:$0x8C00] =	vst v63  }
0x1e2: {  	s0 =	sadd.s32 $0x780, s0;
	s7 =	simm.s32 $0x8900  }
0x1e3: {  	[hbm4b:s0+s2] =	stream.linear.scatter [tilespmem:s7], [sflag:$0x1], $0x80, $0x38;
	[tilespmem:$0x8C00] =	vst v63  }
0x1e4: {  	_ =	swait.ge [sflag:s23], $0x800  }
0x1e5: {  	[sflag:s23] =	ssyncset.done $0x0  }
0x1e6: {  	s22 =	simm.s32 $0x4D80;
	s0 =	sadd.s32 s5, s17;
	[sflag:s23] =	ssyncadd.s32 $0xFFFFF800  }
0x1e7: {  	[hbm4b:s0+s2] =	stream.linear.scatter [tilespmem:s22], [sflag:$0x1], $0x80, $0x38;
	[tilespmem:$0x8C00] =	vst v63  }
0x1e8: {  	s6 =	simm.s32 $0x5180;
	s4 =	sadd.s32 $0x80, s0  }
0x1e9: {  	[hbm4b:s4+s2] =	stream.linear.scatter [tilespmem:s6], [sflag:$0x1], $0x80, $0x38;
	[tilespmem:$0x8C00] =	vst v63  }
0x1ea: {  	s7 =	sadd.s32 $0x100, s0;
	s22 =	simm.s32 $0x5580  }
0x1eb: {  	[hbm4b:s7+s2] =	stream.linear.scatter [tilespmem:s22], [sflag:$0x1], $0x80, $0x38;
	[tilespmem:$0x8C00] =	vst v63  }
0x1ec: {  	s4 =	sadd.s32 $0x180, s0;
	s6 =	simm.s32 $0x5980  }
0x1ed: {  	[hbm4b:s4+s2] =	stream.linear.scatter [tilespmem:s6], [sflag:$0x1], $0x80, $0x38;
	[tilespmem:$0x8C00] =	vst v63  }
0x1ee: {  	s7 =	sadd.s32 $0x200, s0;
	s22 =	simm.s32 $0x5D80  }
0x1ef: {  	[hbm4b:s7+s2] =	stream.linear.scatter [tilespmem:s22], [sflag:$0x1], $0x80, $0x38;
	[tilespmem:$0x8C00] =	vst v63  }
0x1f0: {  	s4 =	sadd.s32 $0x280, s0;
	s6 =	simm.s32 $0x6180  }
0x1f1: {  	[hbm4b:s4+s2] =	stream.linear.scatter [tilespmem:s6], [sflag:$0x1], $0x80, $0x38;
	[tilespmem:$0x8C00] =	vst v63  }
0x1f2: {  	s7 =	sadd.s32 $0x300, s0;
	s22 =	simm.s32 $0x6580  }
0x1f3: {  	[hbm4b:s7+s2] =	stream.linear.scatter [tilespmem:s22], [sflag:$0x1], $0x80, $0x38;
	[tilespmem:$0x8C00] =	vst v63  }
0x1f4: {  	s4 =	sadd.s32 $0x380, s0;
	s6 =	simm.s32 $0x6980  }
0x1f5: {  	[hbm4b:s4+s2] =	stream.linear.scatter [tilespmem:s6], [sflag:$0x1], $0x80, $0x38;
	[tilespmem:$0x8C00] =	vst v63  }
0x1f6: {  	s7 =	sadd.s32 $0x400, s0;
	s22 =	simm.s32 $0x6D80  }
0x1f7: {  	[hbm4b:s7+s2] =	stream.linear.scatter [tilespmem:s22], [sflag:$0x1], $0x80, $0x38;
	[tilespmem:$0x8C00] =	vst v63  }
0x1f8: {  	s4 =	sadd.s32 $0x480, s0;
	s6 =	simm.s32 $0x7180  }
0x1f9: {  	[hbm4b:s4+s2] =	stream.linear.scatter [tilespmem:s6], [sflag:$0x1], $0x80, $0x38;
	[tilespmem:$0x8C00] =	vst v63  }
0x1fa: {  	s7 =	sadd.s32 $0x500, s0;
	s22 =	simm.s32 $0x7580  }
0x1fb: {  	[hbm4b:s7+s2] =	stream.linear.scatter [tilespmem:s22], [sflag:$0x1], $0x80, $0x38;
	[tilespmem:$0x8C00] =	vst v63  }
0x1fc: {  	s4 =	sadd.s32 $0x580, s0;
	s6 =	simm.s32 $0x7980  }
0x1fd: {  	[hbm4b:s4+s2] =	stream.linear.scatter [tilespmem:s6], [sflag:$0x1], $0x80, $0x38;
	[tilespmem:$0x8C00] =	vst v63  }
0x1fe: {  	s7 =	sadd.s32 $0x600, s0;
	s22 =	simm.s32 $0x7D80  }
0x1ff: {  	[hbm4b:s7+s2] =	stream.linear.scatter [tilespmem:s22], [sflag:$0x1], $0x80, $0x38;
	[tilespmem:$0x8C00] =	vst v63  }
0x200: {  	s4 =	sadd.s32 $0x680, s0;
	s6 =	simm.s32 $0x8180  }
0x201: {  	[hbm4b:s4+s2] =	stream.linear.scatter [tilespmem:s6], [sflag:$0x1], $0x80, $0x38;
	[tilespmem:$0x8C00] =	vst v63  }
0x202: {  	s7 =	sadd.s32 $0x700, s0;
	s22 =	simm.s32 $0x8580  }
0x203: {  	[hbm4b:s7+s2] =	stream.linear.scatter [tilespmem:s22], [sflag:$0x1], $0x80, $0x38;
	[tilespmem:$0x8C00] =	vst v63  }
0x204: {  	s0 =	sadd.s32 $0x780, s0;
	s4 =	simm.s32 $0x8980  }
0x205: {  	[hbm4b:s0+s2] =	stream.linear.scatter [tilespmem:s4], [sflag:$0x1], $0x80, $0x38;
	[tilespmem:$0x8C00] =	vst v63  }
0x206: {  	_ =	swait.ge [sflag:s23], $0x800  }
0x207: {  	[sflag:s23] =	ssyncset.done $0x0  }
0x208: {  	s6 =	simm.s32 $0x4E00;
	s0 =	sadd.s32 s5, s18;
	[sflag:s23] =	ssyncadd.s32 $0xFFFFF800  }
0x209: {  	[hbm4b:s0+s2] =	stream.linear.scatter [tilespmem:s6], [sflag:$0x1], $0x80, $0x38;
	[tilespmem:$0x8C00] =	vst v63  }
0x20a: {  	s22 =	simm.s32 $0x5200;
	s7 =	sadd.s32 $0x80, s0  }
0x20b: {  	[hbm4b:s7+s2] =	stream.linear.scatter [tilespmem:s22], [sflag:$0x1], $0x80, $0x38;
	[tilespmem:$0x8C00] =	vst v63  }
0x20c: {  	s4 =	sadd.s32 $0x100, s0;
	s6 =	simm.s32 $0x5600  }
0x20d: {  	[hbm4b:s4+s2] =	stream.linear.scatter [tilespmem:s6], [sflag:$0x1], $0x80, $0x38;
	[tilespmem:$0x8C00] =	vst v63  }
0x20e: {  	s7 =	sadd.s32 $0x180, s0;
	s22 =	simm.s32 $0x5A00  }
0x20f: {  	[hbm4b:s7+s2] =	stream.linear.scatter [tilespmem:s22], [sflag:$0x1], $0x80, $0x38;
	[tilespmem:$0x8C00] =	vst v63  }
0x210: {  	s4 =	sadd.s32 $0x200, s0;
	s6 =	simm.s32 $0x5E00  }
0x211: {  	[hbm4b:s4+s2] =	stream.linear.scatter [tilespmem:s6], [sflag:$0x1], $0x80, $0x38;
	[tilespmem:$0x8C00] =	vst v63  }
0x212: {  	s7 =	sadd.s32 $0x280, s0;
	s22 =	simm.s32 $0x6200  }
0x213: {  	[hbm4b:s7+s2] =	stream.linear.scatter [tilespmem:s22], [sflag:$0x1], $0x80, $0x38;
	[tilespmem:$0x8C00] =	vst v63  }
0x214: {  	s4 =	sadd.s32 $0x300, s0;
	s6 =	simm.s32 $0x6600  }
0x215: {  	[hbm4b:s4+s2] =	stream.linear.scatter [tilespmem:s6], [sflag:$0x1], $0x80, $0x38;
	[tilespmem:$0x8C00] =	vst v63  }
0x216: {  	s7 =	sadd.s32 $0x380, s0;
	s22 =	simm.s32 $0x6A00  }
0x217: {  	[hbm4b:s7+s2] =	stream.linear.scatter [tilespmem:s22], [sflag:$0x1], $0x80, $0x38;
	[tilespmem:$0x8C00] =	vst v63  }
0x218: {  	s4 =	sadd.s32 $0x400, s0;
	s6 =	simm.s32 $0x6E00  }
0x219: {  	[hbm4b:s4+s2] =	stream.linear.scatter [tilespmem:s6], [sflag:$0x1], $0x80, $0x38;
	[tilespmem:$0x8C00] =	vst v63  }
0x21a: {  	s7 =	sadd.s32 $0x480, s0;
	s22 =	simm.s32 $0x7200  }
0x21b: {  	[hbm4b:s7+s2] =	stream.linear.scatter [tilespmem:s22], [sflag:$0x1], $0x80, $0x38;
	[tilespmem:$0x8C00] =	vst v63  }
0x21c: {  	s4 =	sadd.s32 $0x500, s0;
	s6 =	simm.s32 $0x7600  }
0x21d: {  	[hbm4b:s4+s2] =	stream.linear.scatter [tilespmem:s6], [sflag:$0x1], $0x80, $0x38;
	[tilespmem:$0x8C00] =	vst v63  }
0x21e: {  	s7 =	sadd.s32 $0x580, s0;
	s22 =	simm.s32 $0x7A00  }
0x21f: {  	[hbm4b:s7+s2] =	stream.linear.scatter [tilespmem:s22], [sflag:$0x1], $0x80, $0x38;
	[tilespmem:$0x8C00] =	vst v63  }
0x220: {  	s4 =	sadd.s32 $0x600, s0;
	s6 =	simm.s32 $0x7E00  }
0x221: {  	[hbm4b:s4+s2] =	stream.linear.scatter [tilespmem:s6], [sflag:$0x1], $0x80, $0x38;
	[tilespmem:$0x8C00] =	vst v63  }
0x222: {  	s7 =	sadd.s32 $0x680, s0;
	s22 =	simm.s32 $0x8200  }
0x223: {  	[hbm4b:s7+s2] =	stream.linear.scatter [tilespmem:s22], [sflag:$0x1], $0x80, $0x38;
	[tilespmem:$0x8C00] =	vst v63  }
0x224: {  	s4 =	sadd.s32 $0x700, s0;
	s6 =	simm.s32 $0x8600  }
0x225: {  	[hbm4b:s4+s2] =	stream.linear.scatter [tilespmem:s6], [sflag:$0x1], $0x80, $0x38;
	[tilespmem:$0x8C00] =	vst v63  }
0x226: {  	s0 =	sadd.s32 $0x780, s0;
	s7 =	simm.s32 $0x8A00  }
0x227: {  	[hbm4b:s0+s2] =	stream.linear.scatter [tilespmem:s7], [sflag:$0x1], $0x80, $0x38;
	[tilespmem:$0x8C00] =	vst v63  }
0x228: {  	_ =	swait.ge [sflag:s23], $0x800  }
0x229: {  	[sflag:s23] =	ssyncset.done $0x0  }
0x22a: {  	s22 =	simm.s32 $0x4E80;
	s0 =	sadd.s32 s5, s19;
	[sflag:s23] =	ssyncadd.s32 $0xFFFFF800  }
0x22b: {  	[hbm4b:s0+s2] =	stream.linear.scatter [tilespmem:s22], [sflag:$0x1], $0x80, $0x38;
	[tilespmem:$0x8C00] =	vst v63  }
0x22c: {  	s6 =	simm.s32 $0x5280;
	s4 =	sadd.s32 $0x80, s0  }
0x22d: {  	[hbm4b:s4+s2] =	stream.linear.scatter [tilespmem:s6], [sflag:$0x1], $0x80, $0x38;
	[tilespmem:$0x8C00] =	vst v63  }
0x22e: {  	s7 =	sadd.s32 $0x100, s0;
	s22 =	simm.s32 $0x5680  }
0x22f: {  	[hbm4b:s7+s2] =	stream.linear.scatter [tilespmem:s22], [sflag:$0x1], $0x80, $0x38;
	[tilespmem:$0x8C00] =	vst v63  }
0x230: {  	s4 =	sadd.s32 $0x180, s0;
	s6 =	simm.s32 $0x5A80  }
0x231: {  	[hbm4b:s4+s2] =	stream.linear.scatter [tilespmem:s6], [sflag:$0x1], $0x80, $0x38;
	[tilespmem:$0x8C00] =	vst v63  }
0x232: {  	s7 =	sadd.s32 $0x200, s0;
	s22 =	simm.s32 $0x5E80  }
0x233: {  	[hbm4b:s7+s2] =	stream.linear.scatter [tilespmem:s22], [sflag:$0x1], $0x80, $0x38;
	[tilespmem:$0x8C00] =	vst v63  }
0x234: {  	s4 =	sadd.s32 $0x280, s0;
	s6 =	simm.s32 $0x6280  }
0x235: {  	[hbm4b:s4+s2] =	stream.linear.scatter [tilespmem:s6], [sflag:$0x1], $0x80, $0x38;
	[tilespmem:$0x8C00] =	vst v63  }
0x236: {  	s7 =	sadd.s32 $0x300, s0;
	s22 =	simm.s32 $0x6680  }
0x237: {  	[hbm4b:s7+s2] =	stream.linear.scatter [tilespmem:s22], [sflag:$0x1], $0x80, $0x38;
	[tilespmem:$0x8C00] =	vst v63  }
0x238: {  	s4 =	sadd.s32 $0x380, s0;
	s6 =	simm.s32 $0x6A80  }
0x239: {  	[hbm4b:s4+s2] =	stream.linear.scatter [tilespmem:s6], [sflag:$0x1], $0x80, $0x38;
	[tilespmem:$0x8C00] =	vst v63  }
0x23a: {  	s7 =	sadd.s32 $0x400, s0;
	s22 =	simm.s32 $0x6E80  }
0x23b: {  	[hbm4b:s7+s2] =	stream.linear.scatter [tilespmem:s22], [sflag:$0x1], $0x80, $0x38;
	[tilespmem:$0x8C00] =	vst v63  }
0x23c: {  	s4 =	sadd.s32 $0x480, s0;
	s6 =	simm.s32 $0x7280  }
0x23d: {  	[hbm4b:s4+s2] =	stream.linear.scatter [tilespmem:s6], [sflag:$0x1], $0x80, $0x38;
	[tilespmem:$0x8C00] =	vst v63  }
0x23e: {  	s7 =	sadd.s32 $0x500, s0;
	s22 =	simm.s32 $0x7680  }
0x23f: {  	[hbm4b:s7+s2] =	stream.linear.scatter [tilespmem:s22], [sflag:$0x1], $0x80, $0x38;
	[tilespmem:$0x8C00] =	vst v63  }
0x240: {  	s4 =	sadd.s32 $0x580, s0;
	s6 =	simm.s32 $0x7A80  }
0x241: {  	[hbm4b:s4+s2] =	stream.linear.scatter [tilespmem:s6], [sflag:$0x1], $0x80, $0x38;
	[tilespmem:$0x8C00] =	vst v63  }
0x242: {  	s7 =	sadd.s32 $0x600, s0;
	s22 =	simm.s32 $0x7E80  }
0x243: {  	[hbm4b:s7+s2] =	stream.linear.scatter [tilespmem:s22], [sflag:$0x1], $0x80, $0x38;
	[tilespmem:$0x8C00] =	vst v63  }
0x244: {  	s4 =	sadd.s32 $0x680, s0;
	s6 =	simm.s32 $0x8280  }
0x245: {  	[hbm4b:s4+s2] =	stream.linear.scatter [tilespmem:s6], [sflag:$0x1], $0x80, $0x38;
	[tilespmem:$0x8C00] =	vst v63  }
0x246: {  	s7 =	sadd.s32 $0x700, s0;
	s22 =	simm.s32 $0x8680  }
0x247: {  	[hbm4b:s7+s2] =	stream.linear.scatter [tilespmem:s22], [sflag:$0x1], $0x80, $0x38;
	[tilespmem:$0x8C00] =	vst v63  }
0x248: {  	s0 =	sadd.s32 $0x780, s0;
	s4 =	simm.s32 $0x8A80  }
0x249: {  	[hbm4b:s0+s2] =	stream.linear.scatter [tilespmem:s4], [sflag:$0x1], $0x80, $0x38;
	[tilespmem:$0x8C00] =	vst v63  }
0x24a: {  	_ =	swait.ge [sflag:s23], $0x800  }
0x24b: {  	[sflag:s23] =	ssyncset.done $0x0  }
0x24c: {  	s6 =	simm.s32 $0x4F00;
	s0 =	sadd.s32 s5, s20;
	[sflag:s23] =	ssyncadd.s32 $0xFFFFF800  }
0x24d: {  	[hbm4b:s0+s2] =	stream.linear.scatter [tilespmem:s6], [sflag:$0x1], $0x80, $0x38;
	[tilespmem:$0x8C00] =	vst v63  }
0x24e: {  	s22 =	simm.s32 $0x5300;
	s7 =	sadd.s32 $0x80, s0  }
0x24f: {  	[hbm4b:s7+s2] =	stream.linear.scatter [tilespmem:s22], [sflag:$0x1], $0x80, $0x38;
	[tilespmem:$0x8C00] =	vst v63  }
0x250: {  	s4 =	sadd.s32 $0x100, s0;
	s6 =	simm.s32 $0x5700  }
0x251: {  	[hbm4b:s4+s2] =	stream.linear.scatter [tilespmem:s6], [sflag:$0x1], $0x80, $0x38;
	[tilespmem:$0x8C00] =	vst v63  }
0x252: {  	s7 =	sadd.s32 $0x180, s0;
	s22 =	simm.s32 $0x5B00  }
0x253: {  	[hbm4b:s7+s2] =	stream.linear.scatter [tilespmem:s22], [sflag:$0x1], $0x80, $0x38;
	[tilespmem:$0x8C00] =	vst v63  }
0x254: {  	s4 =	sadd.s32 $0x200, s0;
	s6 =	simm.s32 $0x5F00  }
0x255: {  	[hbm4b:s4+s2] =	stream.linear.scatter [tilespmem:s6], [sflag:$0x1], $0x80, $0x38;
	[tilespmem:$0x8C00] =	vst v63  }
0x256: {  	s7 =	sadd.s32 $0x280, s0;
	s22 =	simm.s32 $0x6300  }
0x257: {  	[hbm4b:s7+s2] =	stream.linear.scatter [tilespmem:s22], [sflag:$0x1], $0x80, $0x38;
	[tilespmem:$0x8C00] =	vst v63  }
0x258: {  	s4 =	sadd.s32 $0x300, s0;
	s6 =	simm.s32 $0x6700  }
0x259: {  	[hbm4b:s4+s2] =	stream.linear.scatter [tilespmem:s6], [sflag:$0x1], $0x80, $0x38;
	[tilespmem:$0x8C00] =	vst v63  }
0x25a: {  	s7 =	sadd.s32 $0x380, s0;
	s22 =	simm.s32 $0x6B00  }
0x25b: {  	[hbm4b:s7+s2] =	stream.linear.scatter [tilespmem:s22], [sflag:$0x1], $0x80, $0x38;
	[tilespmem:$0x8C00] =	vst v63  }
0x25c: {  	s4 =	sadd.s32 $0x400, s0;
	s6 =	simm.s32 $0x6F00  }
0x25d: {  	[hbm4b:s4+s2] =	stream.linear.scatter [tilespmem:s6], [sflag:$0x1], $0x80, $0x38;
	[tilespmem:$0x8C00] =	vst v63  }
0x25e: {  	s7 =	sadd.s32 $0x480, s0;
	s22 =	simm.s32 $0x7300  }
0x25f: {  	[hbm4b:s7+s2] =	stream.linear.scatter [tilespmem:s22], [sflag:$0x1], $0x80, $0x38;
	[tilespmem:$0x8C00] =	vst v63  }
0x260: {  	s4 =	sadd.s32 $0x500, s0;
	s6 =	simm.s32 $0x7700  }
0x261: {  	[hbm4b:s4+s2] =	stream.linear.scatter [tilespmem:s6], [sflag:$0x1], $0x80, $0x38;
	[tilespmem:$0x8C00] =	vst v63  }
0x262: {  	s7 =	sadd.s32 $0x580, s0;
	s22 =	simm.s32 $0x7B00  }
0x263: {  	[hbm4b:s7+s2] =	stream.linear.scatter [tilespmem:s22], [sflag:$0x1], $0x80, $0x38;
	[tilespmem:$0x8C00] =	vst v63  }
0x264: {  	s4 =	sadd.s32 $0x600, s0;
	s6 =	simm.s32 $0x7F00  }
0x265: {  	[hbm4b:s4+s2] =	stream.linear.scatter [tilespmem:s6], [sflag:$0x1], $0x80, $0x38;
	[tilespmem:$0x8C00] =	vst v63  }
0x266: {  	s7 =	sadd.s32 $0x680, s0;
	s22 =	simm.s32 $0x8300  }
0x267: {  	[hbm4b:s7+s2] =	stream.linear.scatter [tilespmem:s22], [sflag:$0x1], $0x80, $0x38;
	[tilespmem:$0x8C00] =	vst v63  }
0x268: {  	s6 =	sadd.s32 $0x700, s0;
	s7 =	simm.s32 $0x8700  }
0x269: {  	[hbm4b:s6+s2] =	stream.linear.scatter [tilespmem:s7], [sflag:$0x1], $0x80, $0x38;
	[tilespmem:$0x8C00] =	vst v63  }
0x26a: {  	s0 =	sadd.s32 $0x780, s0;
	s22 =	simm.s32 $0x8B00  }
0x26b: {  	[hbm4b:s0+s2] =	stream.linear.scatter [tilespmem:s22], [sflag:$0x1], $0x80, $0x38;
	[tilespmem:$0x8C00] =	vst v63  }
0x26c: {  	_ =	swait.ge [sflag:s23], $0x800  }
0x26d: {  	[sflag:s23] =	ssyncset.done $0x0  }
0x26e: {  	s4 =	simm.s32 $0x4F80;
	s0 =	sadd.s32 s5, s21;
	[sflag:s23] =	ssyncadd.s32 $0xFFFFF800  }
0x26f: {  	[hbm4b:s0+s2] =	stream.linear.scatter [tilespmem:s4], [sflag:$0x1], $0x80, $0x38;
	[tilespmem:$0x8C00] =	vst v63  }
0x270: {  	s6 =	simm.s32 $0x5380;
	s5 =	sadd.s32 $0x80, s0  }
0x271: {  	[hbm4b:s5+s2] =	stream.linear.scatter [tilespmem:s6], [sflag:$0x1], $0x80, $0x38;
	[tilespmem:$0x8C00] =	vst v63  }
0x272: {  	s22 =	simm.s32 $0x5780;
	s7 =	sadd.s32 $0x100, s0  }
0x273: {  	[hbm4b:s7+s2] =	stream.linear.scatter [tilespmem:s22], [sflag:$0x1], $0x80, $0x38;
	[tilespmem:$0x8C00] =	vst v63  }
0x274: {  	s5 =	sadd.s32 $0x180, s0;
	s6 =	simm.s32 $0x5B80  }
0x275: {  	[hbm4b:s5+s2] =	stream.linear.scatter [tilespmem:s6], [sflag:$0x1], $0x80, $0x38;
	[tilespmem:$0x8C00] =	vst v63  }
0x276: {  	s7 =	sadd.s32 $0x200, s0;
	s22 =	simm.s32 $0x5F80  }
0x277: {  	[hbm4b:s7+s2] =	stream.linear.scatter [tilespmem:s22], [sflag:$0x1], $0x80, $0x38;
	[tilespmem:$0x8C00] =	vst v63  }
0x278: {  	s5 =	sadd.s32 $0x280, s0;
	s6 =	simm.s32 $0x6380  }
0x279: {  	[hbm4b:s5+s2] =	stream.linear.scatter [tilespmem:s6], [sflag:$0x1], $0x80, $0x38;
	[tilespmem:$0x8C00] =	vst v63  }
0x27a: {  	s7 =	sadd.s32 $0x300, s0;
	s22 =	simm.s32 $0x6780  }
0x27b: {  	[hbm4b:s7+s2] =	stream.linear.scatter [tilespmem:s22], [sflag:$0x1], $0x80, $0x38;
	[tilespmem:$0x8C00] =	vst v63  }
0x27c: {  	s5 =	sadd.s32 $0x380, s0;
	s6 =	simm.s32 $0x6B80  }
0x27d: {  	[hbm4b:s5+s2] =	stream.linear.scatter [tilespmem:s6], [sflag:$0x1], $0x80, $0x38;
	[tilespmem:$0x8C00] =	vst v63  }
0x27e: {  	s7 =	sadd.s32 $0x400, s0;
	s22 =	simm.s32 $0x6F80  }
0x27f: {  	[hbm4b:s7+s2] =	stream.linear.scatter [tilespmem:s22], [sflag:$0x1], $0x80, $0x38;
	[tilespmem:$0x8C00] =	vst v63  }
0x280: {  	s5 =	sadd.s32 $0x480, s0;
	s6 =	simm.s32 $0x7380  }
0x281: {  	[hbm4b:s5+s2] =	stream.linear.scatter [tilespmem:s6], [sflag:$0x1], $0x80, $0x38;
	[tilespmem:$0x8C00] =	vst v63  }
0x282: {  	s7 =	sadd.s32 $0x500, s0;
	s22 =	simm.s32 $0x7780  }
0x283: {  	[hbm4b:s7+s2] =	stream.linear.scatter [tilespmem:s22], [sflag:$0x1], $0x80, $0x38;
	[tilespmem:$0x8C00] =	vst v63  }
0x284: {  	s5 =	sadd.s32 $0x580, s0;
	s6 =	simm.s32 $0x7B80  }
0x285: {  	[hbm4b:s5+s2] =	stream.linear.scatter [tilespmem:s6], [sflag:$0x1], $0x80, $0x38;
	[tilespmem:$0x8C00] =	vst v63  }
0x286: {  	s7 =	sadd.s32 $0x600, s0;
	s22 =	simm.s32 $0x7F80  }
0x287: {  	[hbm4b:s7+s2] =	stream.linear.scatter [tilespmem:s22], [sflag:$0x1], $0x80, $0x38;
	[tilespmem:$0x8C00] =	vst v63  }
0x288: {  	s3 =	sadd.s32 $0x1, s3;
	s4 =	sadd.s32 $0x680, s0;
	s5 =	simm.s32 $0x8380  }
0x289: {  	[hbm4b:s4+s2] =	stream.linear.scatter [tilespmem:s5], [sflag:$0x1], $0x80, $0x38;
	[tilespmem:$0x8C00] =	vst v63  }
0x28a: {  	p0 =	sne.s32 s3, $0x40;
	s6 =	sadd.s32 $0x700, s0;
	s7 =	simm.s32 $0x8780  }
0x28b: {  	[hbm4b:s6+s2] =	stream.linear.scatter [tilespmem:s7], [sflag:$0x1], $0x80, $0x38;
	[tilespmem:$0x8C00] =	vst v63  }
.Ltmp1:
0x28c: {  	s0 =	sadd.s32 $0x780, s0;
	s22 =	simm.s32 $0x8B80;
	(pc) =	sbr.rel @p0 .LBB2_2-.Ltmp1, $4  }
0x28d: {  	[hbm4b:s0+s2] =	stream.linear.scatter [tilespmem:s22], [sflag:$0x1], $0x80, $0x38;
	[tilespmem:$0x8C00] =	vst v63  }
0x28e: {  	_ =	swait.ge [sflag:s23], $0x800  }
0x28f: {  	[sflag:s23] =	ssyncset.done $0x0  }
0x290: {  	[sflag:s23] =	ssyncadd.s32 $0xFFFFF800  }
0x291: {  	s1 =	rddreg [dreg:$0x8]  }
0x292: {  	s0 =	rddreg [dreg:$0x7];
	s1 =	sadd.s32 $0x1, s1  }
0x293: {  	p0 =	sne.s32 s1, s0  }
.Ltmp2:
0x294: {  	_ = 	snop;
	(pc) =	sbr.rel @p0 .LBB2_1-.Ltmp2, $1  }
0x295: {  	_ =	sdelay $0x3  }
0x296: {  	_ =	sfence.sel $0x180000  }
0x297: {  	[bflag:$0x0] =	sbarrier.arrive $0xFFFF  }
0x298: {  	_ =	strace $0x90000047  }
0x299: {  	s0 =	stileid.u32;
	[bflag:$0x2] =	sbarrier.arrive $0xFFFF  }
0x29a: {  	p0 =	sne.s32 s0, $0x0;
	s0 =	rddreg [dreg:$0x2]  }
0x29b: {  	s0 =	sadd.s32 @!p0 $0x100000, s0  }
0x29c: {  	[sflag:s0] =	ssyncadd.tile.s32 @!p0 $0x1;
	_ =	shalt  }
.Lfunc_end2:
_tile_overlayer_lowered:
.L_overlay_start_2:
0x29d: {  	(tag) =	ssettag $0x2  }
0x29e: {  	s0 =	rddreg [dreg:$0x0];
	s2 =	stileid.u32  }
0x29f: {  	s1 =	rddreg [dreg:$0x1];
	p0 =	sne.s32 s2, $0x0  }
0x2a0: {  	s3 =	rddreg [dreg:$0x2];
	[bflag:$0x3] =	sbarrier.arrive $0xFFFF;
	s2 =	simm.s32 @!p0 $0x1C01  }
0x2a1: {  	[timem:s3], [sflag:s2] =	dma.local @!p0 [hbm:s0], s1  }
0x2a2: {  	s0 =	simm.s32 @!p0 $0x1  }
0x2a3: {  	_ =	swait.ge @!p0 [sflag:s0], s1  }
0x2a4: {  	s1 =	ssub.s32 @!p0 $0x0, s1;
	[sflag:s0] =	ssyncset.done @!p0 $0x0  }
0x2a5: {  	[sflag:s0] =	ssyncadd.s32 @!p0 s1  }
0x2a6: {  	[bflag:$0x3] =	sbarrier.arrive $0xFFFF  }
0x2a7: {  	_ =	shalt  }

</sc_bundles>
